<compile_context>
chip_gen: v7x
topology: tpu7x:2x2x1
jax: 0.10.2.dev20260603
libtpu: 0.0.44.dev20260713+nightly
codegen_flags: <defaults>
</compile_context>

<pallas_src>
import math
import functools

import jax
import jax.numpy as jnp
from jax import lax
from jax.experimental import pallas as pl
from jax.experimental.pallas import tpu as pltpu
from jax.experimental.pallas import tpu_sc as plsc

N_NODES = 10000
N_EDGES = 320000
N_ENDPOINTS = 2 * N_EDGES
NPAD = 10240
NC = 2
NS = 16
NW = NC * NS
L = 16


_ZUNROLL = 16

N_CTILES = N_EDGES // 128
TILES_PER_W = N_CTILES // NW
N_EXTRA = N_CTILES - TILES_PER_W * NW
COLS_PER_W = TILES_PER_W * 128


_CHUNK_TILES = (20, 20, 19, 19)
_GROUPS_PER_ROWVEC = 4


def _sc_hist_body(edges_hbm, out_hbm, idx_v, extra_v, hist_v, *sems):
    c = lax.axis_index("c")
    s = lax.axis_index("s")
    wid = s * NC + c
    base = wid * COLS_PER_W

    extra_w = jnp.minimum(wid, N_EXTRA - 1)
    cp_extra = pltpu.async_copy(
        edges_hbm.at[
            pl.ds(0, 2), pl.ds((TILES_PER_W * NW + extra_w) * 128, 128)
        ],
        extra_v,
        sems[-1],
    )

    cps = []
    col0 = 0
    for k, nt in enumerate(_CHUNK_TILES):
        ncols = nt * 128
        cps.append(
            pltpu.async_copy(
                edges_hbm.at[pl.ds(0, 2), pl.ds(base + col0, ncols)],
                idx_v.at[pl.ds(0, 2), pl.ds(col0, ncols)],
                sems[k],
            )
        )
        col0 += ncols

    zeros = jnp.zeros((L,), jnp.int32)

    def zero_body(i, carry):
        for j in range(_ZUNROLL):
            hist_v[pl.ds((i * _ZUNROLL + j) * L, L)] = zeros
        return carry

    lax.fori_loop(0, NPAD // (L * _ZUNROLL), zero_body, 0)

    ones = jnp.ones((L,), jnp.int32)

    def add_body(i, carry):
        idxs = []
        for j in range(_GROUPS_PER_ROWVEC):
            col = pl.ds((i * _GROUPS_PER_ROWVEC + j) * L, L)
            for r in range(2):
                idxs.append(idx_v[r, col])
        for idx in idxs:
            plsc.addupdate_scatter(hist_v, [idx], ones)
        return carry

    g0 = 0
    for k, nt in enumerate(_CHUNK_TILES):
        ng = nt * 128 // L // _GROUPS_PER_ROWVEC
        cps[k].wait()
        lax.fori_loop(g0, g0 + ng, add_body, 0)
        g0 += ng

    cp_extra.wait()

    @pl.when(wid < N_EXTRA)
    def _():
        idxs = []
        for r in range(2):
            for j in range(128 // L):
                idxs.append(extra_v[r, pl.ds(j * L, L)])
        for idx in idxs:
            plsc.addupdate_scatter(hist_v, [idx], ones)

    pltpu.sync_copy(hist_v, out_hbm.at[wid])


_sc_hist = functools.partial(
    pl.kernel,
    mesh=plsc.VectorSubcoreMesh(core_axis_name="c", subcore_axis_name="s"),
    out_type=jax.ShapeDtypeStruct((NW, NPAD), jnp.int32),
    scratch_types=[
        pltpu.VMEM((2, COLS_PER_W), jnp.int32),
        pltpu.VMEM((2, 128), jnp.int32),
        pltpu.VMEM((NPAD,), jnp.int32),
    ]
    + [pltpu.SemaphoreType.DMA] * (len(_CHUNK_TILES) + 1),
    compiler_params=pltpu.CompilerParams(needs_layout_passes=False),
)(_sc_hist_body)


_MEAN = 2.0 * N_EDGES / N_NODES
def _tc_stats_body(parts_ref, out_ref):
    x = parts_ref[...]
    deg = jnp.sum(x, axis=0, keepdims=True).astype(jnp.float32)
    col = lax.broadcasted_iota(jnp.int32, (1, NPAD), 1)
    centered = jnp.where(col < N_NODES, deg - _MEAN, 0.0)
    var = jnp.sum(centered * centered) / (N_NODES - 1)
    max_deg = jnp.max(deg)

    normalized_var = var / (_MEAN + 1e-8)
    clustering = jnp.minimum(jnp.float32(1.0), normalized_var * 0.1)
    clustering = jnp.where(max_deg <= 1.0, jnp.float32(0.0), clustering)

    out_ref[0] = jnp.float32(math.log(N_NODES))
    out_ref[1] = jnp.float32(math.log(N_EDGES))
    out_ref[2] = jnp.float32(_MEAN)
    out_ref[3] = clustering
    out_ref[4] = jnp.float32(math.log(N_NODES) / math.log(max(2, _MEAN)))
    out_ref[5] = jnp.float32(2.0 * N_EDGES / (N_NODES * (N_NODES - 1)))


_tc_stats = pl.pallas_call(
    _tc_stats_body,
    out_shape=jax.ShapeDtypeStruct((6,), jnp.float32),
    out_specs=pl.BlockSpec(memory_space=pltpu.SMEM),
)


def kernel(edge_index, node_features):
    del node_features
    parts = _sc_hist(edge_index)
    return _tc_stats(parts)

# --- scband reference (transcript-rebuilt; emitter-appended) ---
"""Pipeline reference for scband-graph-statistics-analyzer-12704513262255 (READ-ONLY COPY).

The authoritative reference and input builder live on the scoring server;
editing this copy changes nothing except your own understanding.
"""

import math
import jax, jax.numpy as jnp
import numpy as np

N_NODES = 10000
N_EDGES = 320000
D_FEAT = 128

def setup_inputs(seed: int = 0):
    key = jax.random.key(seed)
    k1, k2 = jax.random.split(key)
    edge_index = jax.random.randint(k1, (2, N_EDGES), 0, N_NODES)
    node_features = jax.random.normal(k2, (N_NODES, D_FEAT), dtype=jnp.float32)
    return {"edge_index": edge_index, "node_features": node_features}

def reference(edge_index, node_features):
    num_nodes = node_features.shape[0]
    num_edges = edge_index.shape[1]
    # static scalar statistics (depend only on shapes)
    avg_degree = 2.0 * num_edges / num_nodes
    density = 2.0 * num_edges / (num_nodes * (num_nodes - 1)) if num_nodes > 1 else 0.0
    num_nodes_log = math.log(num_nodes)
    num_edges_log = math.log(num_edges)
    diameter_estimate = math.log(num_nodes) / math.log(max(2, avg_degree))
    # degree computation via scatter-add (segment reduce)
    ones = jnp.ones((num_edges,), dtype=jnp.float32)
    degrees = jnp.zeros((num_nodes,), dtype=jnp.float32)
    degrees = degrees.at[edge_index[0]].add(ones)
    degrees = degrees.at[edge_index[1]].add(ones)
    # clustering coefficient estimate (mirrors _estimate_clustering_coefficient)
    avg_degree_t = degrees.mean()
    max_degree = degrees.max()
    degree_var = jnp.var(degrees, ddof=1)  # torch .var() is unbiased
    normalized_var = degree_var / (avg_degree_t + 1e-08)
    clustering = jnp.minimum(1.0, normalized_var * 0.1)
    clustering = jnp.where(max_degree <= 1.0, 0.0, clustering)
    stats = jnp.stack([
        jnp.asarray(num_nodes_log, jnp.float32),
        jnp.asarray(num_edges_log, jnp.float32),
        jnp.asarray(avg_degree, jnp.float32),
        clustering.astype(jnp.float32),
        jnp.asarray(diameter_estimate, jnp.float32),
        jnp.asarray(density, jnp.float32),
    ])
    return stats

if __name__ == "__main__":
    import jax
    _d = setup_inputs()
    print(jax.jit(kernel)(*tuple(_d.values())))

</pallas_src>

<mosaic_0001>
#map = affine_map<(d0, d1) -> (0, 0)>
module attributes {stable_mosaic.version = 14 : i64} {
  func.func @_sc_hist_body(%arg0: i32, %arg1: i32, %arg2: memref<2x320000xi32, #tpu.memory_space<hbm>>, %arg3: memref<32x10240xi32, #tpu.memory_space<hbm>>, %arg4: memref<2x9984xi32, #tpu.memory_space<vmem>>, %arg5: memref<2x128xi32, #tpu.memory_space<vmem>>, %arg6: memref<10240xi32, #tpu.memory_space<vmem>>, %arg7: memref<!tpu.dma_semaphore, #tpu.memory_space<semaphore_mem>>, %arg8: memref<!tpu.dma_semaphore, #tpu.memory_space<semaphore_mem>>, %arg9: memref<!tpu.dma_semaphore, #tpu.memory_space<semaphore_mem>>, %arg10: memref<!tpu.dma_semaphore, #tpu.memory_space<semaphore_mem>>, %arg11: memref<!tpu.dma_semaphore, #tpu.memory_space<semaphore_mem>>) attributes {dimension_semantics = [#tpu.dimension_semantics<core_parallel>, #tpu.dimension_semantics<subcore_parallel>], iteration_bounds = array<i64: 2, 16>, scalar_prefetch = 0 : i64, scratch_operands = 8 : i64, tpu.core_type = #tpu.core_type<sc_vector_subcore>, window_params = [{transform_indices = #map}, {transform_indices = #map}]} {
    %mul3A = arith.constant 2 : i32
    %mul3A_0 = arith.muli %arg1, %mul3A : i32
    %add3A = arith.addi %mul3A_0, %arg0 : i32
    %mul3A_1 = arith.constant 9984 : i32
    %mul3A_2 = arith.muli %add3A, %mul3A_1 : i32
    %min3A = arith.constant 3 : i32
    %min3A_3 = arith.minsi %add3A, %min3A : i32
    %add3A_4 = arith.constant 2496 : i32
    %add3A_5 = arith.addi %add3A_4, %min3A_3 : i32
    %mul3A_6 = arith.constant 128 : i32
    %mul3A_7 = arith.muli %add3A_5, %mul3A_6 : i32
    %dma_start3A = arith.constant 0 : i32
    %dma_start3A_8 = tpu.memref_slice %arg2[%dma_start3A, %mul3A_7] : memref<2x320000xi32, #tpu.memory_space<hbm>> -> memref<2x128xi32, #tpu.memory_space<hbm>>
    %dma_start3A_9 = arith.constant 0 : i32
    %dma_start3A_10 = tpu.memref_slice %arg2[%dma_start3A_9, %mul3A_7] : memref<2x320000xi32, #tpu.memory_space<hbm>> -> memref<2x128xi32, #tpu.memory_space<hbm>>
    tpu.enqueue_dma source(%dma_start3A_10 : memref<2x128xi32, #tpu.memory_space<hbm>>) target(%arg5 : memref<2x128xi32, #tpu.memory_space<vmem>>) target_semaphore(%arg11 : memref<!tpu.dma_semaphore, #tpu.memory_space<semaphore_mem>>)
    %add3A_11 = arith.constant 0 : i32
    %add3A_12 = arith.addi %mul3A_2, %add3A_11 : i32
    %dma_start3A_13 = arith.constant 0 : i32
    %dma_start3A_14 = arith.constant 0 : i32
    %dma_start3A_15 = tpu.memref_slice %arg4[%dma_start3A_13, %dma_start3A_14] : memref<2x9984xi32, #tpu.memory_space<vmem>> -> memref<2x2560xi32, #tpu.memory_space<vmem>>
    %dma_start3A_16 = arith.constant 0 : i32
    %dma_start3A_17 = tpu.memref_slice %arg2[%dma_start3A_16, %add3A_12] : memref<2x320000xi32, #tpu.memory_space<hbm>> -> memref<2x2560xi32, #tpu.memory_space<hbm>>
    %dma_start3A_18 = arith.constant 0 : i32
    %dma_start3A_19 = arith.constant 0 : i32
    %dma_start3A_20 = tpu.memref_slice %arg4[%dma_start3A_18, %dma_start3A_19] : memref<2x9984xi32, #tpu.memory_space<vmem>> -> memref<2x2560xi32, #tpu.memory_space<vmem>>
    %dma_start3A_21 = arith.constant 0 : i32
    %dma_start3A_22 = tpu.memref_slice %arg2[%dma_start3A_21, %add3A_12] : memref<2x320000xi32, #tpu.memory_space<hbm>> -> memref<2x2560xi32, #tpu.memory_space<hbm>>
    tpu.enqueue_dma source(%dma_start3A_22 : memref<2x2560xi32, #tpu.memory_space<hbm>>) target(%dma_start3A_20 : memref<2x2560xi32, #tpu.memory_space<vmem>>) target_semaphore(%arg7 : memref<!tpu.dma_semaphore, #tpu.memory_space<semaphore_mem>>)
    %add3A_23 = arith.constant 2560 : i32
    %add3A_24 = arith.addi %mul3A_2, %add3A_23 : i32
    %dma_start3A_25 = arith.constant 0 : i32
    %dma_start3A_26 = arith.constant 2560 : i32
    %dma_start3A_27 = tpu.memref_slice %arg4[%dma_start3A_25, %dma_start3A_26] : memref<2x9984xi32, #tpu.memory_space<vmem>> -> memref<2x2560xi32, #tpu.memory_space<vmem>>
    %dma_start3A_28 = arith.constant 0 : i32
    %dma_start3A_29 = tpu.memref_slice %arg2[%dma_start3A_28, %add3A_24] : memref<2x320000xi32, #tpu.memory_space<hbm>> -> memref<2x2560xi32, #tpu.memory_space<hbm>>
    %dma_start3A_30 = arith.constant 0 : i32
    %dma_start3A_31 = arith.constant 2560 : i32
    %dma_start3A_32 = tpu.memref_slice %arg4[%dma_start3A_30, %dma_start3A_31] : memref<2x9984xi32, #tpu.memory_space<vmem>> -> memref<2x2560xi32, #tpu.memory_space<vmem>>
    %dma_start3A_33 = arith.constant 0 : i32
    %dma_start3A_34 = tpu.memref_slice %arg2[%dma_start3A_33, %add3A_24] : memref<2x320000xi32, #tpu.memory_space<hbm>> -> memref<2x2560xi32, #tpu.memory_space<hbm>>
    tpu.enqueue_dma source(%dma_start3A_34 : memref<2x2560xi32, #tpu.memory_space<hbm>>) target(%dma_start3A_32 : memref<2x2560xi32, #tpu.memory_space<vmem>>) target_semaphore(%arg8 : memref<!tpu.dma_semaphore, #tpu.memory_space<semaphore_mem>>)
    %add3A_35 = arith.constant 5120 : i32
    %add3A_36 = arith.addi %mul3A_2, %add3A_35 : i32
    %dma_start3A_37 = arith.constant 0 : i32
    %dma_start3A_38 = arith.constant 5120 : i32
    %dma_start3A_39 = tpu.memref_slice %arg4[%dma_start3A_37, %dma_start3A_38] : memref<2x9984xi32, #tpu.memory_space<vmem>> -> memref<2x2432xi32, #tpu.memory_space<vmem>>
    %dma_start3A_40 = arith.constant 0 : i32
    %dma_start3A_41 = tpu.memref_slice %arg2[%dma_start3A_40, %add3A_36] : memref<2x320000xi32, #tpu.memory_space<hbm>> -> memref<2x2432xi32, #tpu.memory_space<hbm>>
    %dma_start3A_42 = arith.constant 0 : i32
    %dma_start3A_43 = arith.constant 5120 : i32
    %dma_start3A_44 = tpu.memref_slice %arg4[%dma_start3A_42, %dma_start3A_43] : memref<2x9984xi32, #tpu.memory_space<vmem>> -> memref<2x2432xi32, #tpu.memory_space<vmem>>
    %dma_start3A_45 = arith.constant 0 : i32
    %dma_start3A_46 = tpu.memref_slice %arg2[%dma_start3A_45, %add3A_36] : memref<2x320000xi32, #tpu.memory_space<hbm>> -> memref<2x2432xi32, #tpu.memory_space<hbm>>
    tpu.enqueue_dma source(%dma_start3A_46 : memref<2x2432xi32, #tpu.memory_space<hbm>>) target(%dma_start3A_44 : memref<2x2432xi32, #tpu.memory_space<vmem>>) target_semaphore(%arg9 : memref<!tpu.dma_semaphore, #tpu.memory_space<semaphore_mem>>)
    %add3A_47 = arith.constant 7552 : i32
    %add3A_48 = arith.addi %mul3A_2, %add3A_47 : i32
    %dma_start3A_49 = arith.constant 0 : i32
    %dma_start3A_50 = arith.constant 7552 : i32
    %dma_start3A_51 = tpu.memref_slice %arg4[%dma_start3A_49, %dma_start3A_50] : memref<2x9984xi32, #tpu.memory_space<vmem>> -> memref<2x2432xi32, #tpu.memory_space<vmem>>
    %dma_start3A_52 = arith.constant 0 : i32
    %dma_start3A_53 = tpu.memref_slice %arg2[%dma_start3A_52, %add3A_48] : memref<2x320000xi32, #tpu.memory_space<hbm>> -> memref<2x2432xi32, #tpu.memory_space<hbm>>
    %dma_start3A_54 = arith.constant 0 : i32
    %dma_start3A_55 = arith.constant 7552 : i32
    %dma_start3A_56 = tpu.memref_slice %arg4[%dma_start3A_54, %dma_start3A_55] : memref<2x9984xi32, #tpu.memory_space<vmem>> -> memref<2x2432xi32, #tpu.memory_space<vmem>>
    %dma_start3A_57 = arith.constant 0 : i32
    %dma_start3A_58 = tpu.memref_slice %arg2[%dma_start3A_57, %add3A_48] : memref<2x320000xi32, #tpu.memory_space<hbm>> -> memref<2x2432xi32, #tpu.memory_space<hbm>>
    tpu.enqueue_dma source(%dma_start3A_58 : memref<2x2432xi32, #tpu.memory_space<hbm>>) target(%dma_start3A_56 : memref<2x2432xi32, #tpu.memory_space<vmem>>) target_semaphore(%arg10 : memref<!tpu.dma_semaphore, #tpu.memory_space<semaphore_mem>>)
    %broadcast_in_dim3A = arith.constant 0 : i32
    %broadcast_in_dim3A_59 = vector.broadcast %broadcast_in_dim3A : i32 to vector<16xi32>
    %scan3A = arith.constant 0 : i32
    %scan3A_60 = arith.constant 0 : i32
    %scan3A_61 = arith.constant 40 : i32
    %scan3A_62 = arith.addi %scan3A_60, %scan3A_61 : i32
    %scan3A_63 = arith.constant 1 : i32
    scf.for %scan3A_136 = %scan3A_60 to %scan3A_62 step %scan3A_63  : i32 {
      %mul3A_137 = arith.constant 16 : i32
      %mul3A_138 = arith.muli %scan3A_136, %mul3A_137 : i32
      %add3A_139 = arith.constant 0 : i32
      %add3A_140 = arith.addi %mul3A_138, %add3A_139 : i32
      %mul3A_141 = arith.constant 16 : i32
      %mul3A_142 = arith.muli %add3A_140, %mul3A_141 : i32
      %swap3A = arith.index_cast %mul3A_142 : i32 to index
      %swap3A_143 = tpu.vector_load %arg6[%swap3A] {strides = array<i32>} : memref<10240xi32, #tpu.memory_space<vmem>>, vector<16xi32>,
      tpu.vector_store %arg6[%swap3A], %broadcast_in_dim3A_59 {strides = array<i32>} : memref<10240xi32, #tpu.memory_space<vmem>>, vector<16xi32>,
      %mul3A_144 = arith.constant 16 : i32
      %mul3A_145 = arith.muli %scan3A_136, %mul3A_144 : i32
      %add3A_146 = arith.constant 1 : i32
      %add3A_147 = arith.addi %mul3A_145, %add3A_146 : i32
      %mul3A_148 = arith.constant 16 : i32
      %mul3A_149 = arith.muli %add3A_147, %mul3A_148 : i32
      %swap3A_150 = arith.index_cast %mul3A_149 : i32 to index
      %swap3A_151 = tpu.vector_load %arg6[%swap3A_150] {strides = array<i32>} : memref<10240xi32, #tpu.memory_space<vmem>>, vector<16xi32>,
      tpu.vector_store %arg6[%swap3A_150], %broadcast_in_dim3A_59 {strides = array<i32>} : memref<10240xi32, #tpu.memory_space<vmem>>, vector<16xi32>,
      %mul3A_152 = arith.constant 16 : i32
      %mul3A_153 = arith.muli %scan3A_136, %mul3A_152 : i32
      %add3A_154 = arith.constant 2 : i32
      %add3A_155 = arith.addi %mul3A_153, %add3A_154 : i32
      %mul3A_156 = arith.constant 16 : i32
      %mul3A_157 = arith.muli %add3A_155, %mul3A_156 : i32
      %swap3A_158 = arith.index_cast %mul3A_157 : i32 to index
      %swap3A_159 = tpu.vector_load %arg6[%swap3A_158] {strides = array<i32>} : memref<10240xi32, #tpu.memory_space<vmem>>, vector<16xi32>,
      tpu.vector_store %arg6[%swap3A_158], %broadcast_in_dim3A_59 {strides = array<i32>} : memref<10240xi32, #tpu.memory_space<vmem>>, vector<16xi32>,
      %mul3A_160 = arith.constant 16 : i32
      %mul3A_161 = arith.muli %scan3A_136, %mul3A_160 : i32
      %add3A_162 = arith.constant 3 : i32
      %add3A_163 = arith.addi %mul3A_161, %add3A_162 : i32
      %mul3A_164 = arith.constant 16 : i32
      %mul3A_165 = arith.muli %add3A_163, %mul3A_164 : i32
      %swap3A_166 = arith.index_cast %mul3A_165 : i32 to index
      %swap3A_167 = tpu.vector_load %arg6[%swap3A_166] {strides = array<i32>} : memref<10240xi32, #tpu.memory_space<vmem>>, vector<16xi32>,
      tpu.vector_store %arg6[%swap3A_166], %broadcast_in_dim3A_59 {strides = array<i32>} : memref<10240xi32, #tpu.memory_space<vmem>>, vector<16xi32>,
      %mul3A_168 = arith.constant 16 : i32
      %mul3A_169 = arith.muli %scan3A_136, %mul3A_168 : i32
      %add3A_170 = arith.constant 4 : i32
      %add3A_171 = arith.addi %mul3A_169, %add3A_170 : i32
      %mul3A_172 = arith.constant 16 : i32
      %mul3A_173 = arith.muli %add3A_171, %mul3A_172 : i32
      %swap3A_174 = arith.index_cast %mul3A_173 : i32 to index
      %swap3A_175 = tpu.vector_load %arg6[%swap3A_174] {strides = array<i32>} : memref<10240xi32, #tpu.memory_space<vmem>>, vector<16xi32>,
      tpu.vector_store %arg6[%swap3A_174], %broadcast_in_dim3A_59 {strides = array<i32>} : memref<10240xi32, #tpu.memory_space<vmem>>, vector<16xi32>,
      %mul3A_176 = arith.constant 16 : i32
      %mul3A_177 = arith.muli %scan3A_136, %mul3A_176 : i32
      %add3A_178 = arith.constant 5 : i32
      %add3A_179 = arith.addi %mul3A_177, %add3A_178 : i32
      %mul3A_180 = arith.constant 16 : i32
      %mul3A_181 = arith.muli %add3A_179, %mul3A_180 : i32
      %swap3A_182 = arith.index_cast %mul3A_181 : i32 to index
      %swap3A_183 = tpu.vector_load %arg6[%swap3A_182] {strides = array<i32>} : memref<10240xi32, #tpu.memory_space<vmem>>, vector<16xi32>,
      tpu.vector_store %arg6[%swap3A_182], %broadcast_in_dim3A_59 {strides = array<i32>} : memref<10240xi32, #tpu.memory_space<vmem>>, vector<16xi32>,
      %mul3A_184 = arith.constant 16 : i32
      %mul3A_185 = arith.muli %scan3A_136, %mul3A_184 : i32
      %add3A_186 = arith.constant 6 : i32
      %add3A_187 = arith.addi %mul3A_185, %add3A_186 : i32
      %mul3A_188 = arith.constant 16 : i32
      %mul3A_189 = arith.muli %add3A_187, %mul3A_188 : i32
      %swap3A_190 = arith.index_cast %mul3A_189 : i32 to index
      %swap3A_191 = tpu.vector_load %arg6[%swap3A_190] {strides = array<i32>} : memref<10240xi32, #tpu.memory_space<vmem>>, vector<16xi32>,
      tpu.vector_store %arg6[%swap3A_190], %broadcast_in_dim3A_59 {strides = array<i32>} : memref<10240xi32, #tpu.memory_space<vmem>>, vector<16xi32>,
      %mul3A_192 = arith.constant 16 : i32
      %mul3A_193 = arith.muli %scan3A_136, %mul3A_192 : i32
      %add3A_194 = arith.constant 7 : i32
      %add3A_195 = arith.addi %mul3A_193, %add3A_194 : i32
      %mul3A_196 = arith.constant 16 : i32
      %mul3A_197 = arith.muli %add3A_195, %mul3A_196 : i32
      %swap3A_198 = arith.index_cast %mul3A_197 : i32 to index
      %swap3A_199 = tpu.vector_load %arg6[%swap3A_198] {strides = array<i32>} : memref<10240xi32, #tpu.memory_space<vmem>>, vector<16xi32>,
      tpu.vector_store %arg6[%swap3A_198], %broadcast_in_dim3A_59 {strides = array<i32>} : memref<10240xi32, #tpu.memory_space<vmem>>, vector<16xi32>,
      %mul3A_200 = arith.constant 16 : i32
      %mul3A_201 = arith.muli %scan3A_136, %mul3A_200 : i32
      %add3A_202 = arith.constant 8 : i32
      %add3A_203 = arith.addi %mul3A_201, %add3A_202 : i32
      %mul3A_204 = arith.constant 16 : i32
      %mul3A_205 = arith.muli %add3A_203, %mul3A_204 : i32
      %swap3A_206 = arith.index_cast %mul3A_205 : i32 to index
      %swap3A_207 = tpu.vector_load %arg6[%swap3A_206] {strides = array<i32>} : memref<10240xi32, #tpu.memory_space<vmem>>, vector<16xi32>,
      tpu.vector_store %arg6[%swap3A_206], %broadcast_in_dim3A_59 {strides = array<i32>} : memref<10240xi32, #tpu.memory_space<vmem>>, vector<16xi32>,
      %mul3A_208 = arith.constant 16 : i32
      %mul3A_209 = arith.muli %scan3A_136, %mul3A_208 : i32
      %add3A_210 = arith.constant 9 : i32
      %add3A_211 = arith.addi %mul3A_209, %add3A_210 : i32
      %mul3A_212 = arith.constant 16 : i32
      %mul3A_213 = arith.muli %add3A_211, %mul3A_212 : i32
      %swap3A_214 = arith.index_cast %mul3A_213 : i32 to index
      %swap3A_215 = tpu.vector_load %arg6[%swap3A_214] {strides = array<i32>} : memref<10240xi32, #tpu.memory_space<vmem>>, vector<16xi32>,
      tpu.vector_store %arg6[%swap3A_214], %broadcast_in_dim3A_59 {strides = array<i32>} : memref<10240xi32, #tpu.memory_space<vmem>>, vector<16xi32>,
      %mul3A_216 = arith.constant 16 : i32
      %mul3A_217 = arith.muli %scan3A_136, %mul3A_216 : i32
      %add3A_218 = arith.constant 10 : i32
      %add3A_219 = arith.addi %mul3A_217, %add3A_218 : i32
      %mul3A_220 = arith.constant 16 : i32
      %mul3A_221 = arith.muli %add3A_219, %mul3A_220 : i32
      %swap3A_222 = arith.index_cast %mul3A_221 : i32 to index
      %swap3A_223 = tpu.vector_load %arg6[%swap3A_222] {strides = array<i32>} : memref<10240xi32, #tpu.memory_space<vmem>>, vector<16xi32>,
      tpu.vector_store %arg6[%swap3A_222], %broadcast_in_dim3A_59 {strides = array<i32>} : memref<10240xi32, #tpu.memory_space<vmem>>, vector<16xi32>,
      %mul3A_224 = arith.constant 16 : i32
      %mul3A_225 = arith.muli %scan3A_136, %mul3A_224 : i32
      %add3A_226 = arith.constant 11 : i32
      %add3A_227 = arith.addi %mul3A_225, %add3A_226 : i32
      %mul3A_228 = arith.constant 16 : i32
      %mul3A_229 = arith.muli %add3A_227, %mul3A_228 : i32
      %swap3A_230 = arith.index_cast %mul3A_229 : i32 to index
      %swap3A_231 = tpu.vector_load %arg6[%swap3A_230] {strides = array<i32>} : memref<10240xi32, #tpu.memory_space<vmem>>, vector<16xi32>,
      tpu.vector_store %arg6[%swap3A_230], %broadcast_in_dim3A_59 {strides = array<i32>} : memref<10240xi32, #tpu.memory_space<vmem>>, vector<16xi32>,
      %mul3A_232 = arith.constant 16 : i32
      %mul3A_233 = arith.muli %scan3A_136, %mul3A_232 : i32
      %add3A_234 = arith.constant 12 : i32
      %add3A_235 = arith.addi %mul3A_233, %add3A_234 : i32
      %mul3A_236 = arith.constant 16 : i32
      %mul3A_237 = arith.muli %add3A_235, %mul3A_236 : i32
      %swap3A_238 = arith.index_cast %mul3A_237 : i32 to index
      %swap3A_239 = tpu.vector_load %arg6[%swap3A_238] {strides = array<i32>} : memref<10240xi32, #tpu.memory_space<vmem>>, vector<16xi32>,
      tpu.vector_store %arg6[%swap3A_238], %broadcast_in_dim3A_59 {strides = array<i32>} : memref<10240xi32, #tpu.memory_space<vmem>>, vector<16xi32>,
      %mul3A_240 = arith.constant 16 : i32
      %mul3A_241 = arith.muli %scan3A_136, %mul3A_240 : i32
      %add3A_242 = arith.constant 13 : i32
      %add3A_243 = arith.addi %mul3A_241, %add3A_242 : i32
      %mul3A_244 = arith.constant 16 : i32
      %mul3A_245 = arith.muli %add3A_243, %mul3A_244 : i32
      %swap3A_246 = arith.index_cast %mul3A_245 : i32 to index
      %swap3A_247 = tpu.vector_load %arg6[%swap3A_246] {strides = array<i32>} : memref<10240xi32, #tpu.memory_space<vmem>>, vector<16xi32>,
      tpu.vector_store %arg6[%swap3A_246], %broadcast_in_dim3A_59 {strides = array<i32>} : memref<10240xi32, #tpu.memory_space<vmem>>, vector<16xi32>,
      %mul3A_248 = arith.constant 16 : i32
      %mul3A_249 = arith.muli %scan3A_136, %mul3A_248 : i32
      %add3A_250 = arith.constant 14 : i32
      %add3A_251 = arith.addi %mul3A_249, %add3A_250 : i32
      %mul3A_252 = arith.constant 16 : i32
      %mul3A_253 = arith.muli %add3A_251, %mul3A_252 : i32
      %swap3A_254 = arith.index_cast %mul3A_253 : i32 to index
      %swap3A_255 = tpu.vector_load %arg6[%swap3A_254] {strides = array<i32>} : memref<10240xi32, #tpu.memory_space<vmem>>, vector<16xi32>,
      tpu.vector_store %arg6[%swap3A_254], %broadcast_in_dim3A_59 {strides = array<i32>} : memref<10240xi32, #tpu.memory_space<vmem>>, vector<16xi32>,
      %mul3A_256 = arith.constant 16 : i32
      %mul3A_257 = arith.muli %scan3A_136, %mul3A_256 : i32
      %add3A_258 = arith.constant 15 : i32
      %add3A_259 = arith.addi %mul3A_257, %add3A_258 : i32
      %mul3A_260 = arith.constant 16 : i32
      %mul3A_261 = arith.muli %add3A_259, %mul3A_260 : i32
      %swap3A_262 = arith.index_cast %mul3A_261 : i32 to index
      %swap3A_263 = tpu.vector_load %arg6[%swap3A_262] {strides = array<i32>} : memref<10240xi32, #tpu.memory_space<vmem>>, vector<16xi32>,
      tpu.vector_store %arg6[%swap3A_262], %broadcast_in_dim3A_59 {strides = array<i32>} : memref<10240xi32, #tpu.memory_space<vmem>>, vector<16xi32>,
    }
    %scan3A_64 = arith.constant 40 : i32
    %broadcast_in_dim3A_65 = arith.constant 1 : i32
    %broadcast_in_dim3A_66 = vector.broadcast %broadcast_in_dim3A_65 : i32 to vector<16xi32>
    %dma_wait3A = arith.constant 0 : i32
    %dma_wait3A_67 = arith.constant 0 : i32
    %dma_wait3A_68 = tpu.memref_slice %arg4[%dma_wait3A, %dma_wait3A_67] : memref<2x9984xi32, #tpu.memory_space<vmem>> -> memref<2x2560xi32, #tpu.memory_space<vmem>>
    %dma_wait3A_69 = arith.constant 0 : i32
    %dma_wait3A_70 = tpu.memref_slice %arg2[%dma_wait3A_69, %add3A_12] : memref<2x320000xi32, #tpu.memory_space<hbm>> -> memref<2x2560xi32, #tpu.memory_space<hbm>>
    %dma_wait3A_71 = arith.constant 0 : i32
    %dma_wait3A_72 = arith.constant 0 : i32
    %dma_wait3A_73 = tpu.memref_slice %arg4[%dma_wait3A_71, %dma_wait3A_72] : memref<2x9984xi32, #tpu.memory_space<vmem>> -> memref<2x2560xi32, #tpu.memory_space<vmem>>
    %dma_wait3A_74 = arith.constant 0 : i32
    %dma_wait3A_75 = tpu.memref_slice %arg2[%dma_wait3A_74, %add3A_12] : memref<2x320000xi32, #tpu.memory_space<hbm>> -> memref<2x2560xi32, #tpu.memory_space<hbm>>
    tpu.wait_dma2 semaphore(%arg7 : memref<!tpu.dma_semaphore, #tpu.memory_space<semaphore_mem>>) src(%dma_wait3A_75 : memref<2x2560xi32, #tpu.memory_space<hbm>>) dst(%dma_wait3A_73 : memref<2x2560xi32, #tpu.memory_space<vmem>>)
    %scan3A_76 = arith.constant 0 : i32
    %scan3A_77 = arith.constant 0 : i32
    %scan3A_78 = arith.constant 40 : i32
    %scan3A_79 = arith.addi %scan3A_77, %scan3A_78 : i32
    %scan3A_80 = arith.constant 1 : i32
    scf.for %scan3A_136 = %scan3A_77 to %scan3A_79 step %scan3A_80  : i32 {
      %mul3A_137 = arith.constant 4 : i32
      %mul3A_138 = arith.muli %scan3A_136, %mul3A_137 : i32
      %add3A_139 = arith.constant 0 : i32
      %add3A_140 = arith.addi %mul3A_138, %add3A_139 : i32
      %mul3A_141 = arith.constant 16 : i32
      %mul3A_142 = arith.muli %add3A_140, %mul3A_141 : i32
      %get3A = arith.constant 0 : i32
      %get3A_143 = arith.index_cast %get3A : i32 to index
      %get3A_144 = arith.index_cast %mul3A_142 : i32 to index
      %get3A_145 = tpu.vector_load %arg4[%get3A_143, %get3A_144] {strides = array<i32>} : memref<2x9984xi32, #tpu.memory_space<vmem>>, vector<16xi32>,
      %get3A_146 = arith.constant 1 : i32
      %get3A_147 = arith.index_cast %get3A_146 : i32 to index
      %get3A_148 = arith.index_cast %mul3A_142 : i32 to index
      %get3A_149 = tpu.vector_load %arg4[%get3A_147, %get3A_148] {strides = array<i32>} : memref<2x9984xi32, #tpu.memory_space<vmem>>, vector<16xi32>,
      %mul3A_150 = arith.constant 4 : i32
      %mul3A_151 = arith.muli %scan3A_136, %mul3A_150 : i32
      %add3A_152 = arith.constant 1 : i32
      %add3A_153 = arith.addi %mul3A_151, %add3A_152 : i32
      %mul3A_154 = arith.constant 16 : i32
      %mul3A_155 = arith.muli %add3A_153, %mul3A_154 : i32
      %get3A_156 = arith.constant 0 : i32
      %get3A_157 = arith.index_cast %get3A_156 : i32 to index
      %get3A_158 = arith.index_cast %mul3A_155 : i32 to index
      %get3A_159 = tpu.vector_load %arg4[%get3A_157, %get3A_158] {strides = array<i32>} : memref<2x9984xi32, #tpu.memory_space<vmem>>, vector<16xi32>,
      %get3A_160 = arith.constant 1 : i32
      %get3A_161 = arith.index_cast %get3A_160 : i32 to index
      %get3A_162 = arith.index_cast %mul3A_155 : i32 to index
      %get3A_163 = tpu.vector_load %arg4[%get3A_161, %get3A_162] {strides = array<i32>} : memref<2x9984xi32, #tpu.memory_space<vmem>>, vector<16xi32>,
      %mul3A_164 = arith.constant 4 : i32
      %mul3A_165 = arith.muli %scan3A_136, %mul3A_164 : i32
      %add3A_166 = arith.constant 2 : i32
      %add3A_167 = arith.addi %mul3A_165, %add3A_166 : i32
      %mul3A_168 = arith.constant 16 : i32
      %mul3A_169 = arith.muli %add3A_167, %mul3A_168 : i32
      %get3A_170 = arith.constant 0 : i32
      %get3A_171 = arith.index_cast %get3A_170 : i32 to index
      %get3A_172 = arith.index_cast %mul3A_169 : i32 to index
      %get3A_173 = tpu.vector_load %arg4[%get3A_171, %get3A_172] {strides = array<i32>} : memref<2x9984xi32, #tpu.memory_space<vmem>>, vector<16xi32>,
      %get3A_174 = arith.constant 1 : i32
      %get3A_175 = arith.index_cast %get3A_174 : i32 to index
      %get3A_176 = arith.index_cast %mul3A_169 : i32 to index
      %get3A_177 = tpu.vector_load %arg4[%get3A_175, %get3A_176] {strides = array<i32>} : memref<2x9984xi32, #tpu.memory_space<vmem>>, vector<16xi32>,
      %mul3A_178 = arith.constant 4 : i32
      %mul3A_179 = arith.muli %scan3A_136, %mul3A_178 : i32
      %add3A_180 = arith.constant 3 : i32
      %add3A_181 = arith.addi %mul3A_179, %add3A_180 : i32
      %mul3A_182 = arith.constant 16 : i32
      %mul3A_183 = arith.muli %add3A_181, %mul3A_182 : i32
      %get3A_184 = arith.constant 0 : i32
      %get3A_185 = arith.index_cast %get3A_184 : i32 to index
      %get3A_186 = arith.index_cast %mul3A_183 : i32 to index
      %get3A_187 = tpu.vector_load %arg4[%get3A_185, %get3A_186] {strides = array<i32>} : memref<2x9984xi32, #tpu.memory_space<vmem>>, vector<16xi32>,
      %get3A_188 = arith.constant 1 : i32
      %get3A_189 = arith.index_cast %get3A_188 : i32 to index
      %get3A_190 = arith.index_cast %mul3A_183 : i32 to index
      %get3A_191 = tpu.vector_load %arg4[%get3A_189, %get3A_190] {strides = array<i32>} : memref<2x9984xi32, #tpu.memory_space<vmem>>, vector<16xi32>,
      tpu.vector_store_idx %arg6[%get3A_145], %broadcast_in_dim3A_66 {add = true} : memref<10240xi32, #tpu.memory_space<vmem>>[vector<16xi32>], vector<16xi32>,
      tpu.vector_store_idx %arg6[%get3A_149], %broadcast_in_dim3A_66 {add = true} : memref<10240xi32, #tpu.memory_space<vmem>>[vector<16xi32>], vector<16xi32>,
      tpu.vector_store_idx %arg6[%get3A_159], %broadcast_in_dim3A_66 {add = true} : memref<10240xi32, #tpu.memory_space<vmem>>[vector<16xi32>], vector<16xi32>,
      tpu.vector_store_idx %arg6[%get3A_163], %broadcast_in_dim3A_66 {add = true} : memref<10240xi32, #tpu.memory_space<vmem>>[vector<16xi32>], vector<16xi32>,
      tpu.vector_store_idx %arg6[%get3A_173], %broadcast_in_dim3A_66 {add = true} : memref<10240xi32, #tpu.memory_space<vmem>>[vector<16xi32>], vector<16xi32>,
      tpu.vector_store_idx %arg6[%get3A_177], %broadcast_in_dim3A_66 {add = true} : memref<10240xi32, #tpu.memory_space<vmem>>[vector<16xi32>], vector<16xi32>,
      tpu.vector_store_idx %arg6[%get3A_187], %broadcast_in_dim3A_66 {add = true} : memref<10240xi32, #tpu.memory_space<vmem>>[vector<16xi32>], vector<16xi32>,
      tpu.vector_store_idx %arg6[%get3A_191], %broadcast_in_dim3A_66 {add = true} : memref<10240xi32, #tpu.memory_space<vmem>>[vector<16xi32>], vector<16xi32>,
    }
    %scan3A_81 = arith.constant 40 : i32
    %dma_wait3A_82 = arith.constant 0 : i32
    %dma_wait3A_83 = arith.constant 2560 : i32
    %dma_wait3A_84 = tpu.memref_slice %arg4[%dma_wait3A_82, %dma_wait3A_83] : memref<2x9984xi32, #tpu.memory_space<vmem>> -> memref<2x2560xi32, #tpu.memory_space<vmem>>
    %dma_wait3A_85 = arith.constant 0 : i32
    %dma_wait3A_86 = tpu.memref_slice %arg2[%dma_wait3A_85, %add3A_24] : memref<2x320000xi32, #tpu.memory_space<hbm>> -> memref<2x2560xi32, #tpu.memory_space<hbm>>
    %dma_wait3A_87 = arith.constant 0 : i32
    %dma_wait3A_88 = arith.constant 2560 : i32
    %dma_wait3A_89 = tpu.memref_slice %arg4[%dma_wait3A_87, %dma_wait3A_88] : memref<2x9984xi32, #tpu.memory_space<vmem>> -> memref<2x2560xi32, #tpu.memory_space<vmem>>
    %dma_wait3A_90 = arith.constant 0 : i32
    %dma_wait3A_91 = tpu.memref_slice %arg2[%dma_wait3A_90, %add3A_24] : memref<2x320000xi32, #tpu.memory_space<hbm>> -> memref<2x2560xi32, #tpu.memory_space<hbm>>
    tpu.wait_dma2 semaphore(%arg8 : memref<!tpu.dma_semaphore, #tpu.memory_space<semaphore_mem>>) src(%dma_wait3A_91 : memref<2x2560xi32, #tpu.memory_space<hbm>>) dst(%dma_wait3A_89 : memref<2x2560xi32, #tpu.memory_space<vmem>>)
    %scan3A_92 = arith.constant 0 : i32
    %scan3A_93 = arith.constant 40 : i32
    %scan3A_94 = arith.constant 40 : i32
    %scan3A_95 = arith.addi %scan3A_93, %scan3A_94 : i32
    %scan3A_96 = arith.constant 1 : i32
    scf.for %scan3A_136 = %scan3A_93 to %scan3A_95 step %scan3A_96  : i32 {
      %mul3A_137 = arith.constant 4 : i32
      %mul3A_138 = arith.muli %scan3A_136, %mul3A_137 : i32
      %add3A_139 = arith.constant 0 : i32
      %add3A_140 = arith.addi %mul3A_138, %add3A_139 : i32
      %mul3A_141 = arith.constant 16 : i32
      %mul3A_142 = arith.muli %add3A_140, %mul3A_141 : i32
      %get3A = arith.constant 0 : i32
      %get3A_143 = arith.index_cast %get3A : i32 to index
      %get3A_144 = arith.index_cast %mul3A_142 : i32 to index
      %get3A_145 = tpu.vector_load %arg4[%get3A_143, %get3A_144] {strides = array<i32>} : memref<2x9984xi32, #tpu.memory_space<vmem>>, vector<16xi32>,
      %get3A_146 = arith.constant 1 : i32
      %get3A_147 = arith.index_cast %get3A_146 : i32 to index
      %get3A_148 = arith.index_cast %mul3A_142 : i32 to index
      %get3A_149 = tpu.vector_load %arg4[%get3A_147, %get3A_148] {strides = array<i32>} : memref<2x9984xi32, #tpu.memory_space<vmem>>, vector<16xi32>,
      %mul3A_150 = arith.constant 4 : i32
      %mul3A_151 = arith.muli %scan3A_136, %mul3A_150 : i32
      %add3A_152 = arith.constant 1 : i32
      %add3A_153 = arith.addi %mul3A_151, %add3A_152 : i32
      %mul3A_154 = arith.constant 16 : i32
      %mul3A_155 = arith.muli %add3A_153, %mul3A_154 : i32
      %get3A_156 = arith.constant 0 : i32
      %get3A_157 = arith.index_cast %get3A_156 : i32 to index
      %get3A_158 = arith.index_cast %mul3A_155 : i32 to index
      %get3A_159 = tpu.vector_load %arg4[%get3A_157, %get3A_158] {strides = array<i32>} : memref<2x9984xi32, #tpu.memory_space<vmem>>, vector<16xi32>,
      %get3A_160 = arith.constant 1 : i32
      %get3A_161 = arith.index_cast %get3A_160 : i32 to index
      %get3A_162 = arith.index_cast %mul3A_155 : i32 to index
      %get3A_163 = tpu.vector_load %arg4[%get3A_161, %get3A_162] {strides = array<i32>} : memref<2x9984xi32, #tpu.memory_space<vmem>>, vector<16xi32>,
      %mul3A_164 = arith.constant 4 : i32
      %mul3A_165 = arith.muli %scan3A_136, %mul3A_164 : i32
      %add3A_166 = arith.constant 2 : i32
      %add3A_167 = arith.addi %mul3A_165, %add3A_166 : i32
      %mul3A_168 = arith.constant 16 : i32
      %mul3A_169 = arith.muli %add3A_167, %mul3A_168 : i32
      %get3A_170 = arith.constant 0 : i32
      %get3A_171 = arith.index_cast %get3A_170 : i32 to index
      %get3A_172 = arith.index_cast %mul3A_169 : i32 to index
      %get3A_173 = tpu.vector_load %arg4[%get3A_171, %get3A_172] {strides = array<i32>} : memref<2x9984xi32, #tpu.memory_space<vmem>>, vector<16xi32>,
      %get3A_174 = arith.constant 1 : i32
      %get3A_175 = arith.index_cast %get3A_174 : i32 to index
      %get3A_176 = arith.index_cast %mul3A_169 : i32 to index
      %get3A_177 = tpu.vector_load %arg4[%get3A_175, %get3A_176] {strides = array<i32>} : memref<2x9984xi32, #tpu.memory_space<vmem>>, vector<16xi32>,
      %mul3A_178 = arith.constant 4 : i32
      %mul3A_179 = arith.muli %scan3A_136, %mul3A_178 : i32
      %add3A_180 = arith.constant 3 : i32
      %add3A_181 = arith.addi %mul3A_179, %add3A_180 : i32
      %mul3A_182 = arith.constant 16 : i32
      %mul3A_183 = arith.muli %add3A_181, %mul3A_182 : i32
      %get3A_184 = arith.constant 0 : i32
      %get3A_185 = arith.index_cast %get3A_184 : i32 to index
      %get3A_186 = arith.index_cast %mul3A_183 : i32 to index
      %get3A_187 = tpu.vector_load %arg4[%get3A_185, %get3A_186] {strides = array<i32>} : memref<2x9984xi32, #tpu.memory_space<vmem>>, vector<16xi32>,
      %get3A_188 = arith.constant 1 : i32
      %get3A_189 = arith.index_cast %get3A_188 : i32 to index
      %get3A_190 = arith.index_cast %mul3A_183 : i32 to index
      %get3A_191 = tpu.vector_load %arg4[%get3A_189, %get3A_190] {strides = array<i32>} : memref<2x9984xi32, #tpu.memory_space<vmem>>, vector<16xi32>,
      tpu.vector_store_idx %arg6[%get3A_145], %broadcast_in_dim3A_66 {add = true} : memref<10240xi32, #tpu.memory_space<vmem>>[vector<16xi32>], vector<16xi32>,
      tpu.vector_store_idx %arg6[%get3A_149], %broadcast_in_dim3A_66 {add = true} : memref<10240xi32, #tpu.memory_space<vmem>>[vector<16xi32>], vector<16xi32>,
      tpu.vector_store_idx %arg6[%get3A_159], %broadcast_in_dim3A_66 {add = true} : memref<10240xi32, #tpu.memory_space<vmem>>[vector<16xi32>], vector<16xi32>,
      tpu.vector_store_idx %arg6[%get3A_163], %broadcast_in_dim3A_66 {add = true} : memref<10240xi32, #tpu.memory_space<vmem>>[vector<16xi32>], vector<16xi32>,
      tpu.vector_store_idx %arg6[%get3A_173], %broadcast_in_dim3A_66 {add = true} : memref<10240xi32, #tpu.memory_space<vmem>>[vector<16xi32>], vector<16xi32>,
      tpu.vector_store_idx %arg6[%get3A_177], %broadcast_in_dim3A_66 {add = true} : memref<10240xi32, #tpu.memory_space<vmem>>[vector<16xi32>], vector<16xi32>,
      tpu.vector_store_idx %arg6[%get3A_187], %broadcast_in_dim3A_66 {add = true} : memref<10240xi32, #tpu.memory_space<vmem>>[vector<16xi32>], vector<16xi32>,
      tpu.vector_store_idx %arg6[%get3A_191], %broadcast_in_dim3A_66 {add = true} : memref<10240xi32, #tpu.memory_space<vmem>>[vector<16xi32>], vector<16xi32>,
    }
    %scan3A_97 = arith.constant 40 : i32
    %dma_wait3A_98 = arith.constant 0 : i32
    %dma_wait3A_99 = arith.constant 5120 : i32
    %dma_wait3A_100 = tpu.memref_slice %arg4[%dma_wait3A_98, %dma_wait3A_99] : memref<2x9984xi32, #tpu.memory_space<vmem>> -> memref<2x2432xi32, #tpu.memory_space<vmem>>
    %dma_wait3A_101 = arith.constant 0 : i32
    %dma_wait3A_102 = tpu.memref_slice %arg2[%dma_wait3A_101, %add3A_36] : memref<2x320000xi32, #tpu.memory_space<hbm>> -> memref<2x2432xi32, #tpu.memory_space<hbm>>
    %dma_wait3A_103 = arith.constant 0 : i32
    %dma_wait3A_104 = arith.constant 5120 : i32
    %dma_wait3A_105 = tpu.memref_slice %arg4[%dma_wait3A_103, %dma_wait3A_104] : memref<2x9984xi32, #tpu.memory_space<vmem>> -> memref<2x2432xi32, #tpu.memory_space<vmem>>
    %dma_wait3A_106 = arith.constant 0 : i32
    %dma_wait3A_107 = tpu.memref_slice %arg2[%dma_wait3A_106, %add3A_36] : memref<2x320000xi32, #tpu.memory_space<hbm>> -> memref<2x2432xi32, #tpu.memory_space<hbm>>
    tpu.wait_dma2 semaphore(%arg9 : memref<!tpu.dma_semaphore, #tpu.memory_space<semaphore_mem>>) src(%dma_wait3A_107 : memref<2x2432xi32, #tpu.memory_space<hbm>>) dst(%dma_wait3A_105 : memref<2x2432xi32, #tpu.memory_space<vmem>>)
    %scan3A_108 = arith.constant 0 : i32
    %scan3A_109 = arith.constant 80 : i32
    %scan3A_110 = arith.constant 38 : i32
    %scan3A_111 = arith.addi %scan3A_109, %scan3A_110 : i32
    %scan3A_112 = arith.constant 1 : i32
    scf.for %scan3A_136 = %scan3A_109 to %scan3A_111 step %scan3A_112  : i32 {
      %mul3A_137 = arith.constant 4 : i32
      %mul3A_138 = arith.muli %scan3A_136, %mul3A_137 : i32
      %add3A_139 = arith.constant 0 : i32
      %add3A_140 = arith.addi %mul3A_138, %add3A_139 : i32
      %mul3A_141 = arith.constant 16 : i32
      %mul3A_142 = arith.muli %add3A_140, %mul3A_141 : i32
      %get3A = arith.constant 0 : i32
      %get3A_143 = arith.index_cast %get3A : i32 to index
      %get3A_144 = arith.index_cast %mul3A_142 : i32 to index
      %get3A_145 = tpu.vector_load %arg4[%get3A_143, %get3A_144] {strides = array<i32>} : memref<2x9984xi32, #tpu.memory_space<vmem>>, vector<16xi32>,
      %get3A_146 = arith.constant 1 : i32
      %get3A_147 = arith.index_cast %get3A_146 : i32 to index
      %get3A_148 = arith.index_cast %mul3A_142 : i32 to index
      %get3A_149 = tpu.vector_load %arg4[%get3A_147, %get3A_148] {strides = array<i32>} : memref<2x9984xi32, #tpu.memory_space<vmem>>, vector<16xi32>,
      %mul3A_150 = arith.constant 4 : i32
      %mul3A_151 = arith.muli %scan3A_136, %mul3A_150 : i32
      %add3A_152 = arith.constant 1 : i32
      %add3A_153 = arith.addi %mul3A_151, %add3A_152 : i32
      %mul3A_154 = arith.constant 16 : i32
      %mul3A_155 = arith.muli %add3A_153, %mul3A_154 : i32
      %get3A_156 = arith.constant 0 : i32
      %get3A_157 = arith.index_cast %get3A_156 : i32 to index
      %get3A_158 = arith.index_cast %mul3A_155 : i32 to index
      %get3A_159 = tpu.vector_load %arg4[%get3A_157, %get3A_158] {strides = array<i32>} : memref<2x9984xi32, #tpu.memory_space<vmem>>, vector<16xi32>,
      %get3A_160 = arith.constant 1 : i32
      %get3A_161 = arith.index_cast %get3A_160 : i32 to index
      %get3A_162 = arith.index_cast %mul3A_155 : i32 to index
      %get3A_163 = tpu.vector_load %arg4[%get3A_161, %get3A_162] {strides = array<i32>} : memref<2x9984xi32, #tpu.memory_space<vmem>>, vector<16xi32>,
      %mul3A_164 = arith.constant 4 : i32
      %mul3A_165 = arith.muli %scan3A_136, %mul3A_164 : i32
      %add3A_166 = arith.constant 2 : i32
      %add3A_167 = arith.addi %mul3A_165, %add3A_166 : i32
      %mul3A_168 = arith.constant 16 : i32
      %mul3A_169 = arith.muli %add3A_167, %mul3A_168 : i32
      %get3A_170 = arith.constant 0 : i32
      %get3A_171 = arith.index_cast %get3A_170 : i32 to index
      %get3A_172 = arith.index_cast %mul3A_169 : i32 to index
      %get3A_173 = tpu.vector_load %arg4[%get3A_171, %get3A_172] {strides = array<i32>} : memref<2x9984xi32, #tpu.memory_space<vmem>>, vector<16xi32>,
      %get3A_174 = arith.constant 1 : i32
      %get3A_175 = arith.index_cast %get3A_174 : i32 to index
      %get3A_176 = arith.index_cast %mul3A_169 : i32 to index
      %get3A_177 = tpu.vector_load %arg4[%get3A_175, %get3A_176] {strides = array<i32>} : memref<2x9984xi32, #tpu.memory_space<vmem>>, vector<16xi32>,
      %mul3A_178 = arith.constant 4 : i32
      %mul3A_179 = arith.muli %scan3A_136, %mul3A_178 : i32
      %add3A_180 = arith.constant 3 : i32
      %add3A_181 = arith.addi %mul3A_179, %add3A_180 : i32
      %mul3A_182 = arith.constant 16 : i32
      %mul3A_183 = arith.muli %add3A_181, %mul3A_182 : i32
      %get3A_184 = arith.constant 0 : i32
      %get3A_185 = arith.index_cast %get3A_184 : i32 to index
      %get3A_186 = arith.index_cast %mul3A_183 : i32 to index
      %get3A_187 = tpu.vector_load %arg4[%get3A_185, %get3A_186] {strides = array<i32>} : memref<2x9984xi32, #tpu.memory_space<vmem>>, vector<16xi32>,
      %get3A_188 = arith.constant 1 : i32
      %get3A_189 = arith.index_cast %get3A_188 : i32 to index
      %get3A_190 = arith.index_cast %mul3A_183 : i32 to index
      %get3A_191 = tpu.vector_load %arg4[%get3A_189, %get3A_190] {strides = array<i32>} : memref<2x9984xi32, #tpu.memory_space<vmem>>, vector<16xi32>,
      tpu.vector_store_idx %arg6[%get3A_145], %broadcast_in_dim3A_66 {add = true} : memref<10240xi32, #tpu.memory_space<vmem>>[vector<16xi32>], vector<16xi32>,
      tpu.vector_store_idx %arg6[%get3A_149], %broadcast_in_dim3A_66 {add = true} : memref<10240xi32, #tpu.memory_space<vmem>>[vector<16xi32>], vector<16xi32>,
      tpu.vector_store_idx %arg6[%get3A_159], %broadcast_in_dim3A_66 {add = true} : memref<10240xi32, #tpu.memory_space<vmem>>[vector<16xi32>], vector<16xi32>,
      tpu.vector_store_idx %arg6[%get3A_163], %broadcast_in_dim3A_66 {add = true} : memref<10240xi32, #tpu.memory_space<vmem>>[vector<16xi32>], vector<16xi32>,
      tpu.vector_store_idx %arg6[%get3A_173], %broadcast_in_dim3A_66 {add = true} : memref<10240xi32, #tpu.memory_space<vmem>>[vector<16xi32>], vector<16xi32>,
      tpu.vector_store_idx %arg6[%get3A_177], %broadcast_in_dim3A_66 {add = true} : memref<10240xi32, #tpu.memory_space<vmem>>[vector<16xi32>], vector<16xi32>,
      tpu.vector_store_idx %arg6[%get3A_187], %broadcast_in_dim3A_66 {add = true} : memref<10240xi32, #tpu.memory_space<vmem>>[vector<16xi32>], vector<16xi32>,
      tpu.vector_store_idx %arg6[%get3A_191], %broadcast_in_dim3A_66 {add = true} : memref<10240xi32, #tpu.memory_space<vmem>>[vector<16xi32>], vector<16xi32>,
    }
    %scan3A_113 = arith.constant 38 : i32
    %dma_wait3A_114 = arith.constant 0 : i32
    %dma_wait3A_115 = arith.constant 7552 : i32
    %dma_wait3A_116 = tpu.memref_slice %arg4[%dma_wait3A_114, %dma_wait3A_115] : memref<2x9984xi32, #tpu.memory_space<vmem>> -> memref<2x2432xi32, #tpu.memory_space<vmem>>
    %dma_wait3A_117 = arith.constant 0 : i32
    %dma_wait3A_118 = tpu.memref_slice %arg2[%dma_wait3A_117, %add3A_48] : memref<2x320000xi32, #tpu.memory_space<hbm>> -> memref<2x2432xi32, #tpu.memory_space<hbm>>
    %dma_wait3A_119 = arith.constant 0 : i32
    %dma_wait3A_120 = arith.constant 7552 : i32
    %dma_wait3A_121 = tpu.memref_slice %arg4[%dma_wait3A_119, %dma_wait3A_120] : memref<2x9984xi32, #tpu.memory_space<vmem>> -> memref<2x2432xi32, #tpu.memory_space<vmem>>
    %dma_wait3A_122 = arith.constant 0 : i32
    %dma_wait3A_123 = tpu.memref_slice %arg2[%dma_wait3A_122, %add3A_48] : memref<2x320000xi32, #tpu.memory_space<hbm>> -> memref<2x2432xi32, #tpu.memory_space<hbm>>
    tpu.wait_dma2 semaphore(%arg10 : memref<!tpu.dma_semaphore, #tpu.memory_space<semaphore_mem>>) src(%dma_wait3A_123 : memref<2x2432xi32, #tpu.memory_space<hbm>>) dst(%dma_wait3A_121 : memref<2x2432xi32, #tpu.memory_space<vmem>>)
    %scan3A_124 = arith.constant 0 : i32
    %scan3A_125 = arith.constant 118 : i32
    %scan3A_126 = arith.constant 38 : i32
    %scan3A_127 = arith.addi %scan3A_125, %scan3A_126 : i32
    %scan3A_128 = arith.constant 1 : i32
    scf.for %scan3A_136 = %scan3A_125 to %scan3A_127 step %scan3A_128  : i32 {
      %mul3A_137 = arith.constant 4 : i32
      %mul3A_138 = arith.muli %scan3A_136, %mul3A_137 : i32
      %add3A_139 = arith.constant 0 : i32
      %add3A_140 = arith.addi %mul3A_138, %add3A_139 : i32
      %mul3A_141 = arith.constant 16 : i32
      %mul3A_142 = arith.muli %add3A_140, %mul3A_141 : i32
      %get3A = arith.constant 0 : i32
      %get3A_143 = arith.index_cast %get3A : i32 to index
      %get3A_144 = arith.index_cast %mul3A_142 : i32 to index
      %get3A_145 = tpu.vector_load %arg4[%get3A_143, %get3A_144] {strides = array<i32>} : memref<2x9984xi32, #tpu.memory_space<vmem>>, vector<16xi32>,
      %get3A_146 = arith.constant 1 : i32
      %get3A_147 = arith.index_cast %get3A_146 : i32 to index
      %get3A_148 = arith.index_cast %mul3A_142 : i32 to index
      %get3A_149 = tpu.vector_load %arg4[%get3A_147, %get3A_148] {strides = array<i32>} : memref<2x9984xi32, #tpu.memory_space<vmem>>, vector<16xi32>,
      %mul3A_150 = arith.constant 4 : i32
      %mul3A_151 = arith.muli %scan3A_136, %mul3A_150 : i32
      %add3A_152 = arith.constant 1 : i32
      %add3A_153 = arith.addi %mul3A_151, %add3A_152 : i32
      %mul3A_154 = arith.constant 16 : i32
      %mul3A_155 = arith.muli %add3A_153, %mul3A_154 : i32
      %get3A_156 = arith.constant 0 : i32
      %get3A_157 = arith.index_cast %get3A_156 : i32 to index
      %get3A_158 = arith.index_cast %mul3A_155 : i32 to index
      %get3A_159 = tpu.vector_load %arg4[%get3A_157, %get3A_158] {strides = array<i32>} : memref<2x9984xi32, #tpu.memory_space<vmem>>, vector<16xi32>,
      %get3A_160 = arith.constant 1 : i32
      %get3A_161 = arith.index_cast %get3A_160 : i32 to index
      %get3A_162 = arith.index_cast %mul3A_155 : i32 to index
      %get3A_163 = tpu.vector_load %arg4[%get3A_161, %get3A_162] {strides = array<i32>} : memref<2x9984xi32, #tpu.memory_space<vmem>>, vector<16xi32>,
      %mul3A_164 = arith.constant 4 : i32
      %mul3A_165 = arith.muli %scan3A_136, %mul3A_164 : i32
      %add3A_166 = arith.constant 2 : i32
      %add3A_167 = arith.addi %mul3A_165, %add3A_166 : i32
      %mul3A_168 = arith.constant 16 : i32
      %mul3A_169 = arith.muli %add3A_167, %mul3A_168 : i32
      %get3A_170 = arith.constant 0 : i32
      %get3A_171 = arith.index_cast %get3A_170 : i32 to index
      %get3A_172 = arith.index_cast %mul3A_169 : i32 to index
      %get3A_173 = tpu.vector_load %arg4[%get3A_171, %get3A_172] {strides = array<i32>} : memref<2x9984xi32, #tpu.memory_space<vmem>>, vector<16xi32>,
      %get3A_174 = arith.constant 1 : i32
      %get3A_175 = arith.index_cast %get3A_174 : i32 to index
      %get3A_176 = arith.index_cast %mul3A_169 : i32 to index
      %get3A_177 = tpu.vector_load %arg4[%get3A_175, %get3A_176] {strides = array<i32>} : memref<2x9984xi32, #tpu.memory_space<vmem>>, vector<16xi32>,
      %mul3A_178 = arith.constant 4 : i32
      %mul3A_179 = arith.muli %scan3A_136, %mul3A_178 : i32
      %add3A_180 = arith.constant 3 : i32
      %add3A_181 = arith.addi %mul3A_179, %add3A_180 : i32
      %mul3A_182 = arith.constant 16 : i32
      %mul3A_183 = arith.muli %add3A_181, %mul3A_182 : i32
      %get3A_184 = arith.constant 0 : i32
      %get3A_185 = arith.index_cast %get3A_184 : i32 to index
      %get3A_186 = arith.index_cast %mul3A_183 : i32 to index
      %get3A_187 = tpu.vector_load %arg4[%get3A_185, %get3A_186] {strides = array<i32>} : memref<2x9984xi32, #tpu.memory_space<vmem>>, vector<16xi32>,
      %get3A_188 = arith.constant 1 : i32
      %get3A_189 = arith.index_cast %get3A_188 : i32 to index
      %get3A_190 = arith.index_cast %mul3A_183 : i32 to index
      %get3A_191 = tpu.vector_load %arg4[%get3A_189, %get3A_190] {strides = array<i32>} : memref<2x9984xi32, #tpu.memory_space<vmem>>, vector<16xi32>,
      tpu.vector_store_idx %arg6[%get3A_145], %broadcast_in_dim3A_66 {add = true} : memref<10240xi32, #tpu.memory_space<vmem>>[vector<16xi32>], vector<16xi32>,
      tpu.vector_store_idx %arg6[%get3A_149], %broadcast_in_dim3A_66 {add = true} : memref<10240xi32, #tpu.memory_space<vmem>>[vector<16xi32>], vector<16xi32>,
      tpu.vector_store_idx %arg6[%get3A_159], %broadcast_in_dim3A_66 {add = true} : memref<10240xi32, #tpu.memory_space<vmem>>[vector<16xi32>], vector<16xi32>,
      tpu.vector_store_idx %arg6[%get3A_163], %broadcast_in_dim3A_66 {add = true} : memref<10240xi32, #tpu.memory_space<vmem>>[vector<16xi32>], vector<16xi32>,
      tpu.vector_store_idx %arg6[%get3A_173], %broadcast_in_dim3A_66 {add = true} : memref<10240xi32, #tpu.memory_space<vmem>>[vector<16xi32>], vector<16xi32>,
      tpu.vector_store_idx %arg6[%get3A_177], %broadcast_in_dim3A_66 {add = true} : memref<10240xi32, #tpu.memory_space<vmem>>[vector<16xi32>], vector<16xi32>,
      tpu.vector_store_idx %arg6[%get3A_187], %broadcast_in_dim3A_66 {add = true} : memref<10240xi32, #tpu.memory_space<vmem>>[vector<16xi32>], vector<16xi32>,
      tpu.vector_store_idx %arg6[%get3A_191], %broadcast_in_dim3A_66 {add = true} : memref<10240xi32, #tpu.memory_space<vmem>>[vector<16xi32>], vector<16xi32>,
    }
    %scan3A_129 = arith.constant 38 : i32
    %dma_wait3A_130 = arith.constant 0 : i32
    %dma_wait3A_131 = tpu.memref_slice %arg2[%dma_wait3A_130, %mul3A_7] : memref<2x320000xi32, #tpu.memory_space<hbm>> -> memref<2x128xi32, #tpu.memory_space<hbm>>
    %dma_wait3A_132 = arith.constant 0 : i32
    %dma_wait3A_133 = tpu.memref_slice %arg2[%dma_wait3A_132, %mul3A_7] : memref<2x320000xi32, #tpu.memory_space<hbm>> -> memref<2x128xi32, #tpu.memory_space<hbm>>
    tpu.wait_dma2 semaphore(%arg11 : memref<!tpu.dma_semaphore, #tpu.memory_space<semaphore_mem>>) src(%dma_wait3A_133 : memref<2x128xi32, #tpu.memory_space<hbm>>) dst(%arg5 : memref<2x128xi32, #tpu.memory_space<vmem>>)
    %lt3A = arith.constant 4 : i32
    %lt3A_134 = arith.cmpi slt, %add3A, %lt3A : i32
    %convert_element_type3A = arith.extui %lt3A_134 : i1 to i32
    %cond3A = arith.constant 0 : i32
    %cond3A_135 = arith.cmpi ne, %convert_element_type3A, %cond3A : i32
    scf.if %cond3A_135 {
      %get3A = arith.constant 0 : i32
      %get3A_136 = arith.index_cast %get3A : i32 to index
      %get3A_137 = arith.constant 0 : index
      %get3A_138 = tpu.vector_load %arg5[%get3A_136, %get3A_137] {strides = array<i32>} : memref<2x128xi32, #tpu.memory_space<vmem>>, vector<16xi32>,
      %get3A_139 = arith.constant 0 : i32
      %get3A_140 = arith.index_cast %get3A_139 : i32 to index
      %get3A_141 = arith.constant 16 : index
      %get3A_142 = tpu.vector_load %arg5[%get3A_140, %get3A_141] {strides = array<i32>} : memref<2x128xi32, #tpu.memory_space<vmem>>, vector<16xi32>,
      %get3A_143 = arith.constant 0 : i32
      %get3A_144 = arith.index_cast %get3A_143 : i32 to index
      %get3A_145 = arith.constant 32 : index
      %get3A_146 = tpu.vector_load %arg5[%get3A_144, %get3A_145] {strides = array<i32>} : memref<2x128xi32, #tpu.memory_space<vmem>>, vector<16xi32>,
      %get3A_147 = arith.constant 0 : i32
      %get3A_148 = arith.index_cast %get3A_147 : i32 to index
      %get3A_149 = arith.constant 48 : index
      %get3A_150 = tpu.vector_load %arg5[%get3A_148, %get3A_149] {strides = array<i32>} : memref<2x128xi32, #tpu.memory_space<vmem>>, vector<16xi32>,
      %get3A_151 = arith.constant 0 : i32
      %get3A_152 = arith.index_cast %get3A_151 : i32 to index
      %get3A_153 = arith.constant 64 : index
      %get3A_154 = tpu.vector_load %arg5[%get3A_152, %get3A_153] {strides = array<i32>} : memref<2x128xi32, #tpu.memory_space<vmem>>, vector<16xi32>,
      %get3A_155 = arith.constant 0 : i32
      %get3A_156 = arith.index_cast %get3A_155 : i32 to index
      %get3A_157 = arith.constant 80 : index
      %get3A_158 = tpu.vector_load %arg5[%get3A_156, %get3A_157] {strides = array<i32>} : memref<2x128xi32, #tpu.memory_space<vmem>>, vector<16xi32>,
      %get3A_159 = arith.constant 0 : i32
      %get3A_160 = arith.index_cast %get3A_159 : i32 to index
      %get3A_161 = arith.constant 96 : index
      %get3A_162 = tpu.vector_load %arg5[%get3A_160, %get3A_161] {strides = array<i32>} : memref<2x128xi32, #tpu.memory_space<vmem>>, vector<16xi32>,
      %get3A_163 = arith.constant 0 : i32
      %get3A_164 = arith.index_cast %get3A_163 : i32 to index
      %get3A_165 = arith.constant 112 : index
      %get3A_166 = tpu.vector_load %arg5[%get3A_164, %get3A_165] {strides = array<i32>} : memref<2x128xi32, #tpu.memory_space<vmem>>, vector<16xi32>,
      %get3A_167 = arith.constant 1 : i32
      %get3A_168 = arith.index_cast %get3A_167 : i32 to index
      %get3A_169 = arith.constant 0 : index
      %get3A_170 = tpu.vector_load %arg5[%get3A_168, %get3A_169] {strides = array<i32>} : memref<2x128xi32, #tpu.memory_space<vmem>>, vector<16xi32>,
      %get3A_171 = arith.constant 1 : i32
      %get3A_172 = arith.index_cast %get3A_171 : i32 to index
      %get3A_173 = arith.constant 16 : index
      %get3A_174 = tpu.vector_load %arg5[%get3A_172, %get3A_173] {strides = array<i32>} : memref<2x128xi32, #tpu.memory_space<vmem>>, vector<16xi32>,
      %get3A_175 = arith.constant 1 : i32
      %get3A_176 = arith.index_cast %get3A_175 : i32 to index
      %get3A_177 = arith.constant 32 : index
      %get3A_178 = tpu.vector_load %arg5[%get3A_176, %get3A_177] {strides = array<i32>} : memref<2x128xi32, #tpu.memory_space<vmem>>, vector<16xi32>,
      %get3A_179 = arith.constant 1 : i32
      %get3A_180 = arith.index_cast %get3A_179 : i32 to index
      %get3A_181 = arith.constant 48 : index
      %get3A_182 = tpu.vector_load %arg5[%get3A_180, %get3A_181] {strides = array<i32>} : memref<2x128xi32, #tpu.memory_space<vmem>>, vector<16xi32>,
      %get3A_183 = arith.constant 1 : i32
      %get3A_184 = arith.index_cast %get3A_183 : i32 to index
      %get3A_185 = arith.constant 64 : index
      %get3A_186 = tpu.vector_load %arg5[%get3A_184, %get3A_185] {strides = array<i32>} : memref<2x128xi32, #tpu.memory_space<vmem>>, vector<16xi32>,
      %get3A_187 = arith.constant 1 : i32
      %get3A_188 = arith.index_cast %get3A_187 : i32 to index
      %get3A_189 = arith.constant 80 : index
      %get3A_190 = tpu.vector_load %arg5[%get3A_188, %get3A_189] {strides = array<i32>} : memref<2x128xi32, #tpu.memory_space<vmem>>, vector<16xi32>,
      %get3A_191 = arith.constant 1 : i32
      %get3A_192 = arith.index_cast %get3A_191 : i32 to index
      %get3A_193 = arith.constant 96 : index
      %get3A_194 = tpu.vector_load %arg5[%get3A_192, %get3A_193] {strides = array<i32>} : memref<2x128xi32, #tpu.memory_space<vmem>>, vector<16xi32>,
      %get3A_195 = arith.constant 1 : i32
      %get3A_196 = arith.index_cast %get3A_195 : i32 to index
      %get3A_197 = arith.constant 112 : index
      %get3A_198 = tpu.vector_load %arg5[%get3A_196, %get3A_197] {strides = array<i32>} : memref<2x128xi32, #tpu.memory_space<vmem>>, vector<16xi32>,
      tpu.vector_store_idx %arg6[%get3A_138], %broadcast_in_dim3A_66 {add = true} : memref<10240xi32, #tpu.memory_space<vmem>>[vector<16xi32>], vector<16xi32>,
      tpu.vector_store_idx %arg6[%get3A_142], %broadcast_in_dim3A_66 {add = true} : memref<10240xi32, #tpu.memory_space<vmem>>[vector<16xi32>], vector<16xi32>,
      tpu.vector_store_idx %arg6[%get3A_146], %broadcast_in_dim3A_66 {add = true} : memref<10240xi32, #tpu.memory_space<vmem>>[vector<16xi32>], vector<16xi32>,
      tpu.vector_store_idx %arg6[%get3A_150], %broadcast_in_dim3A_66 {add = true} : memref<10240xi32, #tpu.memory_space<vmem>>[vector<16xi32>], vector<16xi32>,
      tpu.vector_store_idx %arg6[%get3A_154], %broadcast_in_dim3A_66 {add = true} : memref<10240xi32, #tpu.memory_space<vmem>>[vector<16xi32>], vector<16xi32>,
      tpu.vector_store_idx %arg6[%get3A_158], %broadcast_in_dim3A_66 {add = true} : memref<10240xi32, #tpu.memory_space<vmem>>[vector<16xi32>], vector<16xi32>,
      tpu.vector_store_idx %arg6[%get3A_162], %broadcast_in_dim3A_66 {add = true} : memref<10240xi32, #tpu.memory_space<vmem>>[vector<16xi32>], vector<16xi32>,
      tpu.vector_store_idx %arg6[%get3A_166], %broadcast_in_dim3A_66 {add = true} : memref<10240xi32, #tpu.memory_space<vmem>>[vector<16xi32>], vector<16xi32>,
      tpu.vector_store_idx %arg6[%get3A_170], %broadcast_in_dim3A_66 {add = true} : memref<10240xi32, #tpu.memory_space<vmem>>[vector<16xi32>], vector<16xi32>,
      tpu.vector_store_idx %arg6[%get3A_174], %broadcast_in_dim3A_66 {add = true} : memref<10240xi32, #tpu.memory_space<vmem>>[vector<16xi32>], vector<16xi32>,
      tpu.vector_store_idx %arg6[%get3A_178], %broadcast_in_dim3A_66 {add = true} : memref<10240xi32, #tpu.memory_space<vmem>>[vector<16xi32>], vector<16xi32>,
      tpu.vector_store_idx %arg6[%get3A_182], %broadcast_in_dim3A_66 {add = true} : memref<10240xi32, #tpu.memory_space<vmem>>[vector<16xi32>], vector<16xi32>,
      tpu.vector_store_idx %arg6[%get3A_186], %broadcast_in_dim3A_66 {add = true} : memref<10240xi32, #tpu.memory_space<vmem>>[vector<16xi32>], vector<16xi32>,
      tpu.vector_store_idx %arg6[%get3A_190], %broadcast_in_dim3A_66 {add = true} : memref<10240xi32, #tpu.memory_space<vmem>>[vector<16xi32>], vector<16xi32>,
      tpu.vector_store_idx %arg6[%get3A_194], %broadcast_in_dim3A_66 {add = true} : memref<10240xi32, #tpu.memory_space<vmem>>[vector<16xi32>], vector<16xi32>,
      tpu.vector_store_idx %arg6[%get3A_198], %broadcast_in_dim3A_66 {add = true} : memref<10240xi32, #tpu.memory_space<vmem>>[vector<16xi32>], vector<16xi32>,
    } else {
    }
    "tpu.region"() ({
      %run_scoped3A = tpu.sem_alloc : memref<!tpu.dma_semaphore, #tpu.memory_space<semaphore_mem>>
      %dma_start3A_136 = arith.constant 0 : i32
      %dma_start3A_137 = tpu.memref_slice %arg3[%add3A, %dma_start3A_136] : memref<32x10240xi32, #tpu.memory_space<hbm>> -> memref<1x10240xi32, #tpu.memory_space<hbm>>
      %dma_start3A_138 = tpu.memref_squeeze %dma_start3A_137 : memref<1x10240xi32, #tpu.memory_space<hbm>> -> memref<10240xi32, #tpu.memory_space<hbm>>
      %dma_start3A_139 = arith.constant 0 : i32
      %dma_start3A_140 = tpu.memref_slice %arg3[%add3A, %dma_start3A_139] : memref<32x10240xi32, #tpu.memory_space<hbm>> -> memref<1x10240xi32, #tpu.memory_space<hbm>>
      %dma_start3A_141 = tpu.memref_squeeze %dma_start3A_140 : memref<1x10240xi32, #tpu.memory_space<hbm>> -> memref<10240xi32, #tpu.memory_space<hbm>>
      tpu.enqueue_dma source(%arg6 : memref<10240xi32, #tpu.memory_space<vmem>>) target(%dma_start3A_141 : memref<10240xi32, #tpu.memory_space<hbm>>) target_semaphore(%run_scoped3A : memref<!tpu.dma_semaphore, #tpu.memory_space<semaphore_mem>>)
      %dma_wait3A_142 = arith.constant 0 : i32
      %dma_wait3A_143 = tpu.memref_slice %arg3[%add3A, %dma_wait3A_142] : memref<32x10240xi32, #tpu.memory_space<hbm>> -> memref<1x10240xi32, #tpu.memory_space<hbm>>
      %dma_wait3A_144 = tpu.memref_squeeze %dma_wait3A_143 : memref<1x10240xi32, #tpu.memory_space<hbm>> -> memref<10240xi32, #tpu.memory_space<hbm>>
      %dma_wait3A_145 = arith.constant 0 : i32
      %dma_wait3A_146 = tpu.memref_slice %arg3[%add3A, %dma_wait3A_145] : memref<32x10240xi32, #tpu.memory_space<hbm>> -> memref<1x10240xi32, #tpu.memory_space<hbm>>
      %dma_wait3A_147 = tpu.memref_squeeze %dma_wait3A_146 : memref<1x10240xi32, #tpu.memory_space<hbm>> -> memref<10240xi32, #tpu.memory_space<hbm>>
      tpu.wait_dma2 semaphore(%run_scoped3A : memref<!tpu.dma_semaphore, #tpu.memory_space<semaphore_mem>>) src(%arg6 : memref<10240xi32, #tpu.memory_space<vmem>>) dst(%dma_wait3A_147 : memref<10240xi32, #tpu.memory_space<hbm>>)
      tpu.yield
    }) : () -> ()
    return
  }
}

module attributes {stable_mosaic.version = 14 : i64} {
  func.func @_tc_stats_body(%arg0: memref<32x10240xi32, #tpu.memory_space<vmem>>, %arg1: memref<6xf32, #tpu.memory_space<smem>>) attributes {dimension_semantics = [], scalar_prefetch = 0 : i64, scratch_operands = 0 : i64, tpu.core_type = #tpu.core_type<tc>} {
    %get3A = arith.constant 0 : index
    %get3A_0 = arith.constant 0 : index
    %get3A_1 = vector.load %arg0[%get3A, %get3A_0] : memref<32x10240xi32, #tpu.memory_space<vmem>>, vector<32x10240xi32>
    %reduce_sum3A = arith.constant dense<0> : vector<10240xi32>
    %reduce_sum3A_2 = vector.multi_reduction <add>, %get3A_1, %reduce_sum3A [0] : vector<32x10240xi32> to vector<10240xi32>
    %broadcast_in_dim3A = vector.shape_cast %reduce_sum3A_2 : vector<10240xi32> to vector<1x10240xi32>
    %convert_element_type3A = arith.sitofp %broadcast_in_dim3A : vector<1x10240xi32> to vector<1x10240xf32>
    %iota3A = tpu.iota {dimensions = array<i32: 1>} : vector<1x10240xi32>
    %lt3A = arith.constant 10000 : i32
    %lt3A_3 = vector.broadcast %lt3A : i32 to vector<1x10240xi32>
    %lt3A_4 = arith.cmpi slt, %iota3A, %lt3A_3 : vector<1x10240xi32>
    %sub3A = arith.constant 6.400000e+01 : f32
    %sub3A_5 = vector.broadcast %sub3A : f32 to vector<1x10240xf32>
    %sub3A_6 = arith.subf %convert_element_type3A, %sub3A_5 : vector<1x10240xf32>
    %jit3A = arith.constant 0.000000e+00 : f32
    %broadcast_in_dim3A_7 = vector.broadcast %jit3A : f32 to vector<1x10240xf32>
    %select_n3A = arith.select %lt3A_4, %sub3A_6, %broadcast_in_dim3A_7 : vector<1x10240xi1>, vector<1x10240xf32>
    %mul3A = arith.mulf %select_n3A, %select_n3A : vector<1x10240xf32>
    %reduce_sum3A_8 = vector.shape_cast %mul3A : vector<1x10240xf32> to vector<1x1x10240xf32>
    %reduce_sum3A_9 = arith.constant dense<0.000000e+00> : vector<1xf32>
    %reduce_sum3A_10 = vector.multi_reduction <add>, %reduce_sum3A_8, %reduce_sum3A_9 [1, 2] : vector<1x1x10240xf32> to vector<1xf32>
    %reduce_sum3A_11 = vector.shape_cast %reduce_sum3A_10 : vector<1xf32> to vector<1x1x1xf32>
    %reduce_sum3A_12 = vector.extract %reduce_sum3A_11[0, 0, 0] : f32 from vector<1x1x1xf32>
    %div3A = arith.constant 9.999000e+03 : f32
    %div3A_13 = arith.divf %reduce_sum3A_12, %div3A : f32
    %reduce_max3A = vector.shape_cast %convert_element_type3A : vector<1x10240xf32> to vector<1x1x10240xf32>
    %reduce_max3A_14 = arith.constant dense<0xFF800000> : vector<1xf32>
    %reduce_max3A_15 = vector.multi_reduction <maximumf>, %reduce_max3A, %reduce_max3A_14 [1, 2] : vector<1x1x10240xf32> to vector<1xf32>
    %reduce_max3A_16 = vector.shape_cast %reduce_max3A_15 : vector<1xf32> to vector<1x1x1xf32>
    %reduce_max3A_17 = vector.extract %reduce_max3A_16[0, 0, 0] : f32 from vector<1x1x1xf32>
    %div3A_18 = arith.constant 6.400000e+01 : f32
    %div3A_19 = arith.divf %div3A_13, %div3A_18 : f32
    %mul3A_20 = arith.constant 1.000000e-01 : f32
    %mul3A_21 = arith.mulf %div3A_19, %mul3A_20 : f32
    %min3A = arith.constant 1.000000e+00 : f32
    %min3A_22 = arith.minimumf %min3A, %mul3A_21 : f32
    %le3A = arith.constant 1.000000e+00 : f32
    %le3A_23 = arith.cmpf ole, %reduce_max3A_17, %le3A : f32
    %jit3A_24 = arith.constant 0.000000e+00 : f32
    %select_n3A_25 = arith.select %le3A_23, %jit3A_24, %min3A_22 : f32
    %swap3A = arith.constant 9.21034049 : f32
    %swap3A_26 = arith.constant 0 : index
    %swap3A_27 = memref.load %arg1[%swap3A_26] : memref<6xf32, #tpu.memory_space<smem>>
    memref.store %swap3A, %arg1[%swap3A_26] : memref<6xf32, #tpu.memory_space<smem>>
    %swap3A_28 = arith.constant 12.6760759 : f32
    %swap3A_29 = arith.constant 1 : index
    %swap3A_30 = memref.load %arg1[%swap3A_29] : memref<6xf32, #tpu.memory_space<smem>>
    memref.store %swap3A_28, %arg1[%swap3A_29] : memref<6xf32, #tpu.memory_space<smem>>
    %swap3A_31 = arith.constant 6.400000e+01 : f32
    %swap3A_32 = arith.constant 2 : index
    %swap3A_33 = memref.load %arg1[%swap3A_32] : memref<6xf32, #tpu.memory_space<smem>>
    memref.store %swap3A_31, %arg1[%swap3A_32] : memref<6xf32, #tpu.memory_space<smem>>
    %swap3A_34 = arith.constant 3 : index
    %swap3A_35 = memref.load %arg1[%swap3A_34] : memref<6xf32, #tpu.memory_space<smem>>
    memref.store %select_n3A_25, %arg1[%swap3A_34] : memref<6xf32, #tpu.memory_space<smem>>
    %swap3A_36 = arith.constant 2.21461868 : f32
    %swap3A_37 = arith.constant 4 : index
    %swap3A_38 = memref.load %arg1[%swap3A_37] : memref<6xf32, #tpu.memory_space<smem>>
    memref.store %swap3A_36, %arg1[%swap3A_37] : memref<6xf32, #tpu.memory_space<smem>>
    %swap3A_39 = arith.constant 6.400640e-03 : f32
    %swap3A_40 = arith.constant 5 : index
    %swap3A_41 = memref.load %arg1[%swap3A_40] : memref<6xf32, #tpu.memory_space<smem>>
    memref.store %swap3A_39, %arg1[%swap3A_40] : memref<6xf32, #tpu.memory_space<smem>>
    return
  }
}

</mosaic_0001>

<sc_bundles>
// kernel: kernel.4.cloned.1.call-start
scs
__scs_entry_jumppad:
0x0: {  	(pc) =	sbr.rel $0x88, $3  }
0x1: {  	(tag) =	ssettag $0x0;
	lr =	simm.s32 $0x1  }
0x2: {  	[smem:$0x3FA0] =	sst lr;
	_ =	strace $0xD0000000  }
0x3: {  	_ = 	snop  }
0x4: {  	_ = 	snop  }
0x5: {  	_ = 	snop  }
0x6: {  	_ = 	snop  }
0x7: {  	_ = 	snop  }
__scs_overlays_trampoline_lowered:
0x8: {  	[smem:$0x3FAF] =	sst s0  }
0x9: {  	[smem:$0x3FB0] =	sst s1  }
0xa: {  	[smem:$0x3FB1] =	sst s2  }
0xb: {  	[smem:$0x3FB2] =	sst s3  }
0xc: {  	[smem:$0x3FB3] =	sst s4  }
0xd: {  	[smem:$0x3FB4] =	sst s5  }
0xe: {  	[smem:$0x3FB5] =	sst s6  }
0xf: {  	[smem:$0x3FB6] =	sst s7  }
0x10: {  	[smem:$0x3FB7] =	sst s8  }
0x11: {  	[smem:$0x3FB8] =	sst s9;
	s0 =	simm.s32 @!p0 $0x0  }
0x12: {  	s1 =	sld [smem:$0x3F9E];
	s0 =	simm.s32 @p0 $0x1  }
0x13: {  	[smem:$0x3FB9] =	sst s0;
	s0 =	simm.s32 @!p1 $0x0  }
0x14: {  	s2 =	sld [smem:$0x3F9D];
	s0 =	simm.s32 @p1 $0x1  }
0x15: {  	[smem:$0x3FBA] =	sst s0;
	s0 =	simm.s32 @!p2 $0x0  }
0x16: {  	s3 =	sld [smem:$0x3FDB];
	s0 =	simm.s32 @p2 $0x1  }
0x17: {  	s4 =	simm.s32 $0x1BF5;
	[smem:$0x3FBC] =	sst s0  }
0x18: {  	s0 =	sld [smem:$0x3F9F];
	_ =	swait.ge [sflag:s4], $0x0  }
0x19: {  	s7 =	sld [smem:$0x3FA0]  }
0x1a: {  	s8 =	sadd.s32 $0xFFFFE003, lr  }
0x1b: {  	s9 =	sadd.s32 $0xFFFFFEF7, lr;
	s5 =	simm.s32 $0xFFFFFFFF;
	p2 =	slt.u32 s8, $0xFFFFF086  }
0x1c: {  	p1 =	slt.u32 s9, $0xF7A;
	s5 =	simm.s32 @!p2 $0x0  }
0x1d: {  	s5 =	simm.s32 @p1 $0x1;
	p0 =	seq.s32 s7, s2  }
0x1e: {  	s7 =	smul.u32 @!p0 $0xF7A, s2;
	p2 =	seq.s32 @!p0 s5, $0x0  }
0x1f: {  	s9 =	smul.u32 $0xF7A, s1;
	s8 =	simm.s32 @!p0 $0x1BF5;
	p2 =	por !p2, p0  }
0x20: {  	[sflag:s8] =	ssyncset.s32 @!p0 $0xFFFFF086;
	s6 =	sadd.s32 @!p0 s3, s7;
	s7 =	simm.s32 @!p0 $0x108  }
0x21: {  	s3 =	sadd.s32 s3, s9;
	s6 =	sadd.s32 @!p0 $0x88, s6;
	s7 =	simm.s32 @p2 $0x1082  }
0x22: {  	[simem:s7], [sflag:s8] =	dma.local @!p0 [hbm:s6], $0xF7A  }
0x23: {  	s9 =	sor.u32 $0xD0000000, s2;
	s6 =	simm.s32 $0x108;
	_ =	swait.ge @!p0 [sflag:s8], $0x0  }
0x24: {  	s3 =	sadd.s32 $0x88, s3;
	s6 =	simm.s32 @!p1 $0x1082;
	[sflag:s4] =	ssyncset.s32 $0xFFFFF086  }
0x25: {  	[simem:s6], [sflag:s4] =	dma.local [hbm:s3], $0xF7A  }
0x26: {  	[smem:$0x3FA0] =	sst s1;
	(tag) =	ssettag s2;
	_ =	strace s9  }
0x27: {  	s1 =	sld [smem:$0x3FB0]  }
0x28: {  	s2 =	sld [smem:$0x3FB1]  }
0x29: {  	s4 =	sld [smem:$0x3FB3]  }
0x2a: {  	p0 =	seq.s32 s5, $0x0;
	s5 =	sld [smem:$0x3FB4]  }
0x2b: {  	s6 =	sld [smem:$0x3FB5]  }
0x2c: {  	s7 =	sld [smem:$0x3FB6]  }
0x2d: {  	s3 =	simm.s32 $0x108;
	s8 =	sld [smem:$0x3FB7]  }
0x2e: {  	s3 =	simm.s32 @!p0 $0x1082;
	s9 =	sld [smem:$0x3FB8]  }
0x2f: {  	lr =	sadd.s32 s0, s3;
	s0 =	sld [smem:$0x3FAF]  }
0x30: {  	s3 =	sld [smem:$0x3FB2]  }
0x31: {  	[smem:$0x3FBB] =	sst s10  }
0x32: {  	s10 =	sld [smem:$0x3FB9];
	_ =	sdelay $0x3  }
0x33: {  	p0 =	seq.s32 s10, $0x1;
	s10 =	sld [smem:$0x3FBB];
	_ =	sdelay $0x3  }
0x34: {  	[smem:$0x3FBB] =	sst s10  }
0x35: {  	s10 =	sld [smem:$0x3FBA];
	_ =	sdelay $0x3  }
0x36: {  	p1 =	seq.s32 s10, $0x1;
	s10 =	sld [smem:$0x3FBB];
	_ =	sdelay $0x3  }
0x37: {  	[smem:$0x3FBB] =	sst s10  }
0x38: {  	s10 =	sld [smem:$0x3FBC]  }
0x39: {  	_ = 	snop;
	(pc) =	sbr.ind lr, $3  }
0x3a: {  	_ = 	snop  }
0x3b: {  	_ = 	snop  }
0x3c: {  	p2 =	seq.s32 s10, $0x1;
	s10 =	sld [smem:$0x3FBB]  }
0x3d: {  	_ =	shalt  }
0x3e: {  	_ =	shalt  }
0x3f: {  	_ =	shalt  }
0x40: {  	_ =	shalt  }
0x41: {  	_ =	shalt  }
0x42: {  	_ =	shalt  }
0x43: {  	_ =	shalt  }
0x44: {  	_ =	shalt  }
0x45: {  	_ =	shalt  }
0x46: {  	_ =	shalt  }
0x47: {  	_ =	shalt  }
0x48: {  	_ =	shalt  }
0x49: {  	_ =	shalt  }
0x4a: {  	_ =	shalt  }
0x4b: {  	_ =	shalt  }
0x4c: {  	_ =	shalt  }
0x4d: {  	_ =	shalt  }
0x4e: {  	_ =	shalt  }
0x4f: {  	_ =	shalt  }
0x50: {  	_ =	shalt  }
0x51: {  	_ =	shalt  }
0x52: {  	_ =	shalt  }
0x53: {  	_ =	shalt  }
0x54: {  	_ =	shalt  }
0x55: {  	_ =	shalt  }
0x56: {  	_ =	shalt  }
0x57: {  	_ =	shalt  }
0x58: {  	_ =	shalt  }
0x59: {  	_ =	shalt  }
0x5a: {  	_ =	shalt  }
0x5b: {  	_ =	shalt  }
0x5c: {  	_ =	shalt  }
0x5d: {  	_ =	shalt  }
0x5e: {  	_ =	shalt  }
0x5f: {  	_ =	shalt  }
0x60: {  	_ =	shalt  }
0x61: {  	_ =	shalt  }
0x62: {  	_ =	shalt  }
0x63: {  	_ =	shalt  }
0x64: {  	_ =	shalt  }
0x65: {  	_ =	shalt  }
0x66: {  	_ =	shalt  }
0x67: {  	_ =	shalt  }
0x68: {  	_ =	shalt  }
0x69: {  	_ =	shalt  }
0x6a: {  	_ =	shalt  }
0x6b: {  	_ =	shalt  }
0x6c: {  	_ =	shalt  }
0x6d: {  	_ =	shalt  }
0x6e: {  	_ =	shalt  }
0x6f: {  	_ =	shalt  }
0x70: {  	_ =	shalt  }
0x71: {  	_ =	shalt  }
0x72: {  	_ =	shalt  }
0x73: {  	_ =	shalt  }
0x74: {  	_ =	shalt  }
0x75: {  	_ =	shalt  }
0x76: {  	_ =	shalt  }
0x77: {  	_ =	shalt  }
0x78: {  	_ =	shalt  }
0x79: {  	_ =	shalt  }
0x7a: {  	_ =	shalt  }
0x7b: {  	_ =	shalt  }
0x7c: {  	_ =	shalt  }
0x7d: {  	_ =	shalt  }
0x7e: {  	_ =	shalt  }
0x7f: {  	_ =	shalt  }
0x80: {  	_ =	shalt  }
0x81: {  	_ =	shalt  }
0x82: {  	_ =	shalt  }
0x83: {  	_ =	shalt  }
0x84: {  	_ =	shalt  }
0x85: {  	_ =	shalt  }
0x86: {  	_ =	shalt  }
0x87: {  	_ =	shalt  }
.Lfunc_end0:
.L_simem_size_0:
called_computation_lowered:
.L_overlay_start_0:
0x88: {  	s2 =	sld [smem:$0x3FD9]  }
0x89: {  	s3 =	sld [smem:$0x3FFE];
	_ =	sdelay $0x1  }
0x8a: {  	s1 =	srdreg.scid  }
0x8b: {  	s0 =	sand.u32 $0x1, s1  }
0x8c: {  	s17 =	sshll.u32 s0, $0xA;
	s2 =	sadd.s32 s3, s2  }
0x8d: {  	s2 =	sadd.s32 s2, s17  }
0x8e: {  	[smem:$0x3FC7] =	sst s2  }
0x8f: {  	_ = 	snop  }
0x90: {  	s2 =	sld [smem:$0x3FC9];
	(tm) =	ssettm $0x1  }
0x91: {  	s18 =	sld [smem:$0x3FFB];
	_ =	sdelay $0x3  }
0x92: {  	_ =	strace s18  }
0x93: {  	s3 =	sld [smem:$0x3FFC];
	_ =	sdelay $0x3  }
0x94: {  	_ =	strace s3  }
0x95: {  	s3 =	sld [smem:$0x3FFD];
	_ =	sdelay $0x3  }
0x96: {  	_ =	strace s3  }
0x97: {  	_ =	strace $0x8FFFFFFF  }
0x98: {  	s19 =	sld [smem:$0x3FDB];
	_ =	sdelay $0x1  }
0x99: {  	s4 =	simm.s32 $_scs_section_size  }
0x9a: {  	s5 =	simm.s32 $_size__tile_overlayer_lowered;
	s6 =	simm.s32 $_tile_overlayer_lowered  }
0x9b: {  	s22 =	simm.s32 $0x1BFF;
	s21 =	sshll.u32 s6, $0x1;
	s3 =	sadd.s32 s4, s19  }
0x9c: {  	s7 =	simm.s32 $0x0;
	s20 =	sshll.u32 s5, $0x1;
	s5 =	sadd.s32 s21, s3  }
0x9d: {  	[timem:s7], [sflag:s22] =	dma.local [hbm:s5], s20  }
0x9e: {  	_ =	swait.ge [sflag:s22], s20  }
0x9f: {  	s4 =	ssub.s32 $0x0, s20;
	[sflag:s22] =	ssyncset.done $0x0  }
0xa0: {  	[sflag:s22] =	ssyncadd.s32 s4;
	_ =	sdelay $0x1  }
0xa1: {  	s23 =	simm.s32 $0x1B8B  }
0xa2: {  	_ =	swait.ge [sflag:s23], $0x1  }
0xa3: {  	[sflag:s23] =	ssyncset.done $0x0  }
0xa4: {  	s25 =	simm.s32 $0x1B8E;
	s24 =	sld [smem:$0x3FFE];
	[sflag:s23] =	ssyncadd.s32 $0xFFFFFFFF  }
0xa5: {  	s26 =	simm.s32 $execute0_lowered;
	[smem:$0x3FD2] =	sst s25  }
0xa6: {  	s5 =	sshll.u32 s26, $0x1;
	_ =	strace $0x80000046;
	[dreg:$0x1] =	wrdreg $0xFFFFFFFF  }
0xa7: {  	s28 =	simm.s32 $_size_execute0_lowered;
	s3 =	sadd.s32 s3, s5;
	[dreg:$0x0] =	wrdreg $0x0  }
0xa8: {  	s5 =	sshll.u32 s28, $0x1;
	[dreg:$0x2] =	wrdreg s3  }
0xa9: {  	[dreg:$0x3] =	wrdreg s5  }
0xaa: {  	[dreg:$0x4] =	wrdreg $0xC0  }
0xab: {  	_ =	task [dreg:s7], $0x5FFFF  }
0xac: {  	[dreg:$0x1] =	wrdreg $0xFFFFFFFF  }
0xad: {  	[dreg:$0x0] =	wrdreg $0x60  }
0xae: {  	[dreg:$0x2] =	wrdreg s2  }
0xaf: {  	[dreg:$0x3] =	wrdreg s24  }
0xb0: {  	[dreg:$0x4] =	wrdreg $0x9  }
0xb1: {  	_ =	task.clear_ibuf [dreg:s7], $0x5FFFF;
	_ =	strace $0x90000046  }
0xb2: {  	s29 =	simm.s32 $0x9;
	_ =	strace $0x80000048  }
0xb3: {  	_ =	swait.ge [sflag:s29], $0x1  }
0xb4: {  	[sflag:s29] =	ssyncadd.s32 $0xFFFFFFFF  }
0xb5: {  	_ =	strace $0x90000048  }
0xb6: {  	_ =	sfence  }
0xb7: {  	s30 =	sld [smem:$0x0];
	_ =	sdelay $0x2  }
0xb8: {  	s31 =	sshll.u32 s1, $0xD;
	s1 =	sshrl.u32 s1, $0x2  }
0xb9: {  	s3 =	sand.u32 $0x4000, s31;
	s1 =	sadd.s32 s1, s30  }
0xba: {  	s0 =	sor.u32 s3, s0;
	s1 =	sshll.u32 s1, $0x11  }
0xbb: {  	s0 =	sor.u32 s1, s0  }
0xbc: {  	s0 =	sadd.s32 $0x8F2B, s0  }
0xbd: {  	[sflag:s0] =	ssyncadd.remote.s32 $0x1  }
0xbe: {  	_ =	sfence.sel $0xFFFF  }
0xbf: {  	[dreg:$0x0] =	wrdreg $0xFFFFFFFF;
	(pc) =	sbr.abs _section_cstart, $3  }
0xc0: {  	[dreg:$0x1] =	wrdreg $0xFFFFFFFF  }
0xc1: {  	_ =	task.clear_ibuf [dreg:s7], $0x2FFFF;
	_ =	strace $0x9FFFFFFF  }
0xc2: {  	(tm) =	ssettm $0x7FFFFFFF  }
0xc3: {  	_ =	shalt  }
tec
execute0_lowered:
.L_overlay_start_1:
0x0: {  	(tag) =	ssettag $0x1  }
0x1: {  	s1 =	srdreg.scid;
	s4 =	rddreg [dreg:$0x0]  }
0x2: {  	s0 =	stileid.u32;
	s6 =	rddreg [dreg:$0x1];
	s2 =	simm.s32 $0x0  }
0x3: {  	s11 =	simm.s32 $0x1400;
	s12 =	simm.s32 $0x2800;
	s13 =	simm.s32 $0x3B00  }
0x4: {  	s14 =	simm.s32 $0x1;
	s15 =	simm.s32 $0x4F00;
	s16 =	simm.s32 $0x2  }
0x5: {  	s17 =	simm.s32 $0x3;
	s18 =	simm.s32 $0x4;
	s19 =	simm.s32 $0x5  }
0x6: {  	s20 =	simm.s32 $0x80;
	s21 =	simm.s32 $0x400;
	s22 =	simm.s32 $0x6  }
0x7: {  	s3 =	sand.u32 $0x1, s1;
	s23 =	sshll.u32 s0, $0x1;
	s1 =	rddreg [dreg:$0x2]  }
0x8: {  	s24 =	sshrl.u32 s0, $0x2;
	[smem:$0x7FF] =	sst s2;
	p0 =	sgt.u32 s0, $0x1  }
0x9: {  	s5 =	sor.u32 s3, s23;
	s7 =	smul.u32 $0x14000, s24;
	_ =	strace $0x80000047  }
0xa: {  	s3 =	ssub.s32 $0x2, s3;
	s23 =	simm.s32 $0x0;
	s8 =	sshll.u32 s5, $0x7  }
0xb: {  	s25 =	smin.u32 s5, $0x3;
	s9 =	smul.u32 $0x4E00, s5;
	s26 =	sshrl.u32 s3, $0x1  }
0xc: {  	s5 =	smul.u32 $0x9C0, s5;
	s8 =	sand.u32 $0x380, s8;
	s28 =	sshll.u32 s25, $0x5  }
0xd: {  	s30 =	ssub.s32 s3, s26;
	s7 =	sor.u32 s7, s8;
	s29 =	sshrl.u32 s9, $0x3  }
0xe: {  	s9 =	smax.u32 s30, $0x1;
	s7 =	sshrl.u32 s7, $0x3;
	s31 =	sadd.s32 s4, s29  }
0xf: {  	s10 =	sadd.s32 s7, s6;
	s7 =	sadd.s32 s28, s4;
	s4 =	sadd.s32 s4, s5  }
0x10: {  	s5 =	sadd.s32 $0x280, s31;
	s6 =	sadd.s32 $0x500, s31;
	s3 =	sadd.s32 $0x13800, s7  }
0x11: {  	v0 =	vimm.s32 $0x0;
	v1 =	vimm.s32 $0x1;
	s7 =	sadd.s32 $0x760, s31;
	s8 =	sadd.s32 $0x600, s10;
	s10 =	simm.s32 $0x4E00  }
.LBB2_1:
0x12: {  	[tilespmem:s10], [sflag:$0x5] =	stream.linear.gather [hbm4b:s3+s2], $0x100, $0x38;
	[tilespmem:$0x7700] =	vst v63  }
0x13: {  	_ = 	snop  }
0x14: {  	[tilespmem:s2], [sflag:$0x1] =	stream.linear.gather [hbm4b:s4+s2], $0x1400, $0x38;
	[tilespmem:$0x7700] =	vst v63  }
0x15: {  	_ = 	snop  }
0x16: {  	[tilespmem:s11], [sflag:$0x2] =	stream.linear.gather [hbm4b:s5+s2], $0x1400, $0x38;
	[tilespmem:$0x7700] =	vst v63  }
0x17: {  	_ = 	snop  }
0x18: {  	[tilespmem:s12], [sflag:$0x3] =	stream.linear.gather [hbm4b:s6+s2], $0x1300, $0x38;
	[tilespmem:$0x7700] =	vst v63  }
0x19: {  	s24 =	simm.s32 $0x0;
	s25 =	simm.s32 $0x400  }
0x1a: {  	[tilespmem:s13], [sflag:$0x4] =	stream.linear.gather [hbm4b:s7+s2], $0x1300, $0x38;
	[tilespmem:$0x7700] =	vst v63  }
.LBB2_2:
0x1b: {  	p1 =	sne.s32 s25, $0x9C00;
	[tilespmem:s24+$0x4FF0] =	vst v0  }
0x1c: {  	[tilespmem:s24+$0x4F00] =	vst v0  }
0x1d: {  	[tilespmem:s24+$0x4F10] =	vst v0  }
0x1e: {  	[tilespmem:s24+$0x4F20] =	vst v0  }
0x1f: {  	[tilespmem:s24+$0x4F30] =	vst v0  }
0x20: {  	[tilespmem:s24+$0x4F40] =	vst v0  }
0x21: {  	[tilespmem:s24+$0x4F50] =	vst v0  }
0x22: {  	[tilespmem:s24+$0x4F60] =	vst v0  }
0x23: {  	[tilespmem:s24+$0x4F70] =	vst v0  }
0x24: {  	[tilespmem:s24+$0x4F80] =	vst v0  }
0x25: {  	[tilespmem:s24+$0x4F90] =	vst v0  }
.Ltmp0:
0x26: {  	[tilespmem:s24+$0x4FA0] =	vst v0;
	(pc) =	sbr.rel @p1 .LBB2_2-.Ltmp0, $4  }
0x27: {  	[tilespmem:s24+$0x4FB0] =	vst v0  }
0x28: {  	[tilespmem:s24+$0x4FC0] =	vst v0  }
0x29: {  	[tilespmem:s24+$0x4FD0] =	vst v0  }
0x2a: {  	[tilespmem:s24+$0x4FE0] =	vst v0;
	s24 =	sshra.s32 s25, $0x2;
	s25 =	sadd.s32 $0x400, s25  }
0x2b: {  	[tilespmem:s24+$0x4FF0] =	vst v0  }
0x2c: {  	[tilespmem:s24+$0x4F00] =	vst v0  }
0x2d: {  	[tilespmem:s24+$0x4F10] =	vst v0  }
0x2e: {  	[tilespmem:s24+$0x4F20] =	vst v0  }
0x2f: {  	[tilespmem:s24+$0x4F30] =	vst v0  }
0x30: {  	[tilespmem:s24+$0x4F40] =	vst v0  }
0x31: {  	[tilespmem:s24+$0x4F50] =	vst v0  }
0x32: {  	[tilespmem:s24+$0x4F60] =	vst v0  }
0x33: {  	[tilespmem:s24+$0x4F70] =	vst v0  }
0x34: {  	[tilespmem:s24+$0x4F80] =	vst v0  }
0x35: {  	[tilespmem:s24+$0x4F90] =	vst v0  }
0x36: {  	[tilespmem:s24+$0x4FA0] =	vst v0  }
0x37: {  	[tilespmem:s24+$0x4FB0] =	vst v0  }
0x38: {  	[tilespmem:s24+$0x4FC0] =	vst v0  }
0x39: {  	[tilespmem:s24+$0x4FD0] =	vst v0  }
0x3a: {  	[tilespmem:s24+$0x4FE0] =	vst v0;
	p1 =	por $0x0, $0x0;
	s25 =	simm.s32 $0x1;
	s24 =	simm.s32 $0x0  }
0x3b: {  	_ =	swait.ge [sflag:s14], $0x1400;
	s25 =	simm.s32 @!p1 $0x0;
	s26 =	sand.u32 $0x40, s24  }
0x3c: {  	s28 =	sand.u32 $0x1F00, s24;
	[sflag:s14] =	ssyncset.done $0x0;
	s25 =	sshll.u32 s25, $0x6  }
0x3d: {  	s26 =	sor.u32 s26, s28;
	[sflag:s14] =	ssyncadd.s32 $0xFFFFEC00;
	s25 =	sadd.s32 $0x0, s25  }
0x3e: {  	v5 =	vld [tilespmem:s26+$0x0];
	s30 =	sor.u32 $0x80, s25  }
0x3f: {  	s29 =	sadd.s32 $0x10, s25;
	v6 =	vld [tilespmem:s30+$0x0]  }
0x40: {  	v7 =	vld [tilespmem:s26+$0x10];
	s31 =	sor.u32 $0x80, s29  }
0x41: {  	v8 =	vld [tilespmem:s31+$0x0]  }
0x42: {  	v9 =	vld [tilespmem:s26+$0x20];
	s30 =	sadd.s32 $0x20, s25  }
0x43: {  	v3 =	vld [tilespmem:s26+$0x30];
	s25 =	sadd.s32 $0x30, s25;
	s31 =	sor.u32 $0x80, s30  }
0x44: {  	s25 =	sor.u32 $0x80, s25;
	v4 =	vld [tilespmem:s31+$0x0]  }
0x45: {  	v2 =	vld [tilespmem:s25+$0x0]  }
0x46: {  	[tilespmem:v5+s15+$0x0] =	vst.idx.add.s32.msk $0xffff, v1  }
0x47: {  	[tilespmem:v6+s15+$0x0] =	vst.idx.add.s32.msk $0xffff, v1  }
0x48: {  	[tilespmem:v7+s15+$0x0] =	vst.idx.add.s32.msk $0xffff, v1  }
0x49: {  	[tilespmem:v8+s15+$0x0] =	vst.idx.add.s32.msk $0xffff, v1  }
0x4a: {  	p1 =	por !p1, !p1;
	s25 =	simm.s32 $0x40;
	[tilespmem:v9+s15+$0x0] =	vst.idx.add.s32.msk $0xffff, v1  }
.LBB2_4:
0x4b: {  	s26 =	simm.s32 $0x1;
	s24 =	sadd.s32 $0x80, s24  }
0x4c: {  	[tilespmem:v4+s15+$0x0] =	vst.idx.add.s32.msk $0xffff, v1;
	s28 =	smov.u32 s25;
	s29 =	sadd.s32 $0x40, s25;
	s26 =	simm.s32 @!p1 $0x0  }
0x4d: {  	s28 =	sand.u32 $0x40, s28;
	s30 =	sand.u32 $0x1F00, s24;
	s26 =	sshll.u32 s26, $0x6;
	[tilespmem:v3+s15+$0x0] =	vst.idx.add.s32.msk $0xffff, v1  }
0x4e: {  	p2 =	sne.s32 s25, $0x9C0;
	s28 =	sor.u32 s28, s30;
	s26 =	sadd.s32 s26, s24;
	[tilespmem:v2+s15+$0x0] =	vst.idx.add.s32.msk $0xffff, v1  }
0x4f: {  	v5 =	vld [tilespmem:s28+$0x0];
	s25 =	sor.u32 $0x80, s26;
	s30 =	sadd.s32 $0x10, s26;
	s31 =	sadd.s32 $0x20, s26  }
0x50: {  	s26 =	sadd.s32 $0x30, s26;
	v6 =	vld [tilespmem:s25+$0x0];
	s25 =	sor.u32 $0x80, s30  }
0x51: {  	v7 =	vld [tilespmem:s28+$0x10]  }
0x52: {  	v8 =	vld [tilespmem:s25+$0x0]  }
0x53: {  	s25 =	sor.u32 $0x80, s31;
	v9 =	vld [tilespmem:s28+$0x20]  }
0x54: {  	v4 =	vld [tilespmem:s25+$0x0]  }
0x55: {  	s25 =	sor.u32 $0x80, s26;
	v3 =	vld [tilespmem:s28+$0x30]  }
0x56: {  	v2 =	vld [tilespmem:s25+$0x0]  }
.Ltmp1:
0x57: {  	[tilespmem:v5+s15+$0x0] =	vst.idx.add.s32.msk $0xffff, v1;
	(pc) =	sbr.rel @p2 .LBB2_4-.Ltmp1, $4  }
0x58: {  	[tilespmem:v6+s15+$0x0] =	vst.idx.add.s32.msk $0xffff, v1  }
0x59: {  	[tilespmem:v7+s15+$0x0] =	vst.idx.add.s32.msk $0xffff, v1  }
0x5a: {  	[tilespmem:v8+s15+$0x0] =	vst.idx.add.s32.msk $0xffff, v1  }
0x5b: {  	p1 =	por !p1, !p1;
	s25 =	smov.u32 s29;
	[tilespmem:v9+s15+$0x0] =	vst.idx.add.s32.msk $0xffff, v1  }
0x5c: {  	_ =	sdelay $0x3  }
0x5d: {  	[tilespmem:v4+s15+$0x0] =	vst.idx.add.s32.msk $0xffff, v1  }
0x5e: {  	p1 =	por $0x0, $0x0;
	[tilespmem:v3+s15+$0x0] =	vst.idx.add.s32.msk $0xffff, v1  }
0x5f: {  	s25 =	simm.s32 $0x1;
	s26 =	simm.s32 $0x1400;
	s24 =	simm.s32 $0xA00;
	[tilespmem:v2+s15+$0x0] =	vst.idx.add.s32.msk $0xffff, v1  }
0x60: {  	s25 =	simm.s32 @!p1 $0x0;
	s28 =	sand.u32 $0x40, s24;
	_ =	swait.ge [sflag:s16], $0x1400  }
0x61: {  	s26 =	sand.u32 $0x3F00, s26;
	s25 =	sshll.u32 s25, $0x6;
	[sflag:s16] =	ssyncset.done $0x0  }
0x62: {  	s26 =	sor.u32 s28, s26;
	s25 =	sadd.s32 $0x1400, s25;
	[sflag:s16] =	ssyncadd.s32 $0xFFFFEC00  }
0x63: {  	s30 =	sor.u32 $0x80, s25;
	v5 =	vld [tilespmem:s26+$0x0]  }
0x64: {  	s29 =	sadd.s32 $0x10, s25;
	v6 =	vld [tilespmem:s30+$0x0]  }
0x65: {  	s31 =	sor.u32 $0x80, s29;
	v7 =	vld [tilespmem:s26+$0x10]  }
0x66: {  	v8 =	vld [tilespmem:s31+$0x0]  }
0x67: {  	s30 =	sadd.s32 $0x20, s25;
	v9 =	vld [tilespmem:s26+$0x20]  }
0x68: {  	s25 =	sadd.s32 $0x30, s25;
	v3 =	vld [tilespmem:s26+$0x30];
	s31 =	sor.u32 $0x80, s30  }
0x69: {  	s25 =	sor.u32 $0x80, s25;
	v4 =	vld [tilespmem:s31+$0x0]  }
0x6a: {  	v2 =	vld [tilespmem:s25+$0x0]  }
0x6b: {  	[tilespmem:v5+s15+$0x0] =	vst.idx.add.s32.msk $0xffff, v1  }
0x6c: {  	[tilespmem:v6+s15+$0x0] =	vst.idx.add.s32.msk $0xffff, v1  }
0x6d: {  	[tilespmem:v7+s15+$0x0] =	vst.idx.add.s32.msk $0xffff, v1  }
0x6e: {  	[tilespmem:v8+s15+$0x0] =	vst.idx.add.s32.msk $0xffff, v1  }
0x6f: {  	p1 =	por !p1, !p1;
	s25 =	simm.s32 $0x1480;
	[tilespmem:v9+s15+$0x0] =	vst.idx.add.s32.msk $0xffff, v1  }
.LBB2_6:
0x70: {  	s26 =	simm.s32 $0x1;
	s24 =	sadd.s32 $0x40, s24  }
0x71: {  	[tilespmem:v4+s15+$0x0] =	vst.idx.add.s32.msk $0xffff, v1;
	s28 =	smov.u32 s25;
	s29 =	sadd.s32 $0x80, s25;
	s26 =	simm.s32 @!p1 $0x0  }
0x72: {  	s30 =	sand.u32 $0x40, s24;
	s31 =	sand.u32 $0x3F00, s28;
	s26 =	sshll.u32 s26, $0x6;
	[tilespmem:v3+s15+$0x0] =	vst.idx.add.s32.msk $0xffff, v1  }
0x73: {  	p2 =	sne.s32 s25, $0x2780;
	s26 =	sadd.s32 s28, s26;
	s28 =	sor.u32 s30, s31;
	[tilespmem:v2+s15+$0x0] =	vst.idx.add.s32.msk $0xffff, v1  }
0x74: {  	v5 =	vld [tilespmem:s28+$0x0];
	s25 =	sor.u32 $0x80, s26;
	s30 =	sadd.s32 $0x10, s26;
	s31 =	sadd.s32 $0x20, s26  }
0x75: {  	s26 =	sadd.s32 $0x30, s26;
	v6 =	vld [tilespmem:s25+$0x0];
	s25 =	sor.u32 $0x80, s30  }
0x76: {  	v7 =	vld [tilespmem:s28+$0x10]  }
0x77: {  	v8 =	vld [tilespmem:s25+$0x0]  }
0x78: {  	s25 =	sor.u32 $0x80, s31;
	v9 =	vld [tilespmem:s28+$0x20]  }
0x79: {  	v4 =	vld [tilespmem:s25+$0x0]  }
0x7a: {  	s25 =	sor.u32 $0x80, s26;
	v3 =	vld [tilespmem:s28+$0x30]  }
0x7b: {  	v2 =	vld [tilespmem:s25+$0x0]  }
.Ltmp2:
0x7c: {  	[tilespmem:v5+s15+$0x0] =	vst.idx.add.s32.msk $0xffff, v1;
	(pc) =	sbr.rel @p2 .LBB2_6-.Ltmp2, $4  }
0x7d: {  	[tilespmem:v6+s15+$0x0] =	vst.idx.add.s32.msk $0xffff, v1  }
0x7e: {  	[tilespmem:v7+s15+$0x0] =	vst.idx.add.s32.msk $0xffff, v1  }
0x7f: {  	[tilespmem:v8+s15+$0x0] =	vst.idx.add.s32.msk $0xffff, v1  }
0x80: {  	p1 =	por !p1, !p1;
	s25 =	smov.u32 s29;
	[tilespmem:v9+s15+$0x0] =	vst.idx.add.s32.msk $0xffff, v1  }
0x81: {  	_ =	sdelay $0x3  }
0x82: {  	[tilespmem:v4+s15+$0x0] =	vst.idx.add.s32.msk $0xffff, v1  }
0x83: {  	p1 =	por $0x0, $0x0;
	[tilespmem:v3+s15+$0x0] =	vst.idx.add.s32.msk $0xffff, v1  }
0x84: {  	s25 =	simm.s32 $0x1;
	s26 =	simm.s32 $0x2800;
	s24 =	simm.s32 $0x1400;
	[tilespmem:v2+s15+$0x0] =	vst.idx.add.s32.msk $0xffff, v1  }
0x85: {  	s25 =	simm.s32 @!p1 $0x0;
	s28 =	sand.u32 $0x40, s24;
	_ =	swait.ge [sflag:s17], $0x1300  }
0x86: {  	s26 =	sand.u32 $0x3F00, s26;
	s25 =	sshll.u32 s25, $0x6;
	[sflag:s17] =	ssyncset.done $0x0  }
0x87: {  	s26 =	sor.u32 s28, s26;
	s25 =	sadd.s32 $0x2800, s25;
	[sflag:s17] =	ssyncadd.s32 $0xFFFFED00  }
0x88: {  	s30 =	sor.u32 $0x80, s25;
	v5 =	vld [tilespmem:s26+$0x0]  }
0x89: {  	s29 =	sadd.s32 $0x10, s25;
	v6 =	vld [tilespmem:s30+$0x0]  }
0x8a: {  	s31 =	sor.u32 $0x80, s29;
	v7 =	vld [tilespmem:s26+$0x10]  }
0x8b: {  	v8 =	vld [tilespmem:s31+$0x0]  }
0x8c: {  	s30 =	sadd.s32 $0x20, s25;
	v9 =	vld [tilespmem:s26+$0x20]  }
0x8d: {  	s25 =	sadd.s32 $0x30, s25;
	v3 =	vld [tilespmem:s26+$0x30];
	s31 =	sor.u32 $0x80, s30  }
0x8e: {  	s25 =	sor.u32 $0x80, s25;
	v4 =	vld [tilespmem:s31+$0x0]  }
0x8f: {  	v2 =	vld [tilespmem:s25+$0x0]  }
0x90: {  	[tilespmem:v5+s15+$0x0] =	vst.idx.add.s32.msk $0xffff, v1  }
0x91: {  	[tilespmem:v6+s15+$0x0] =	vst.idx.add.s32.msk $0xffff, v1  }
0x92: {  	[tilespmem:v7+s15+$0x0] =	vst.idx.add.s32.msk $0xffff, v1  }
0x93: {  	[tilespmem:v8+s15+$0x0] =	vst.idx.add.s32.msk $0xffff, v1  }
0x94: {  	p1 =	por !p1, !p1;
	s25 =	simm.s32 $0x2880;
	[tilespmem:v9+s15+$0x0] =	vst.idx.add.s32.msk $0xffff, v1  }
.LBB2_8:
0x95: {  	s26 =	simm.s32 $0x1;
	s24 =	sadd.s32 $0x40, s24  }
0x96: {  	[tilespmem:v4+s15+$0x0] =	vst.idx.add.s32.msk $0xffff, v1;
	s28 =	smov.u32 s25;
	s29 =	sadd.s32 $0x80, s25;
	s26 =	simm.s32 @!p1 $0x0  }
0x97: {  	s30 =	sand.u32 $0x40, s24;
	s31 =	sand.u32 $0x3F00, s28;
	s26 =	sshll.u32 s26, $0x6;
	[tilespmem:v3+s15+$0x0] =	vst.idx.add.s32.msk $0xffff, v1  }
0x98: {  	p2 =	sne.s32 s25, $0x3A80;
	s26 =	sadd.s32 s28, s26;
	s28 =	sor.u32 s30, s31;
	[tilespmem:v2+s15+$0x0] =	vst.idx.add.s32.msk $0xffff, v1  }
0x99: {  	v5 =	vld [tilespmem:s28+$0x0];
	s25 =	sor.u32 $0x80, s26;
	s30 =	sadd.s32 $0x10, s26;
	s31 =	sadd.s32 $0x20, s26  }
0x9a: {  	s26 =	sadd.s32 $0x30, s26;
	v6 =	vld [tilespmem:s25+$0x0];
	s25 =	sor.u32 $0x80, s30  }
0x9b: {  	v7 =	vld [tilespmem:s28+$0x10]  }
0x9c: {  	v8 =	vld [tilespmem:s25+$0x0]  }
0x9d: {  	s25 =	sor.u32 $0x80, s31;
	v9 =	vld [tilespmem:s28+$0x20]  }
0x9e: {  	v4 =	vld [tilespmem:s25+$0x0]  }
0x9f: {  	s25 =	sor.u32 $0x80, s26;
	v3 =	vld [tilespmem:s28+$0x30]  }
0xa0: {  	v2 =	vld [tilespmem:s25+$0x0]  }
.Ltmp3:
0xa1: {  	[tilespmem:v5+s15+$0x0] =	vst.idx.add.s32.msk $0xffff, v1;
	(pc) =	sbr.rel @p2 .LBB2_8-.Ltmp3, $4  }
0xa2: {  	[tilespmem:v6+s15+$0x0] =	vst.idx.add.s32.msk $0xffff, v1  }
0xa3: {  	[tilespmem:v7+s15+$0x0] =	vst.idx.add.s32.msk $0xffff, v1  }
0xa4: {  	[tilespmem:v8+s15+$0x0] =	vst.idx.add.s32.msk $0xffff, v1  }
0xa5: {  	p1 =	por !p1, !p1;
	s25 =	smov.u32 s29;
	[tilespmem:v9+s15+$0x0] =	vst.idx.add.s32.msk $0xffff, v1  }
0xa6: {  	_ =	sdelay $0x3  }
0xa7: {  	[tilespmem:v4+s15+$0x0] =	vst.idx.add.s32.msk $0xffff, v1  }
0xa8: {  	p1 =	por $0x0, $0x0;
	[tilespmem:v3+s15+$0x0] =	vst.idx.add.s32.msk $0xffff, v1  }
0xa9: {  	s25 =	simm.s32 $0x1;
	s26 =	simm.s32 $0x3B00;
	s24 =	simm.s32 $0x1D80;
	[tilespmem:v2+s15+$0x0] =	vst.idx.add.s32.msk $0xffff, v1  }
0xaa: {  	s25 =	simm.s32 @!p1 $0x0;
	s28 =	sand.u32 $0x40, s24;
	_ =	swait.ge [sflag:s18], $0x1300  }
0xab: {  	s26 =	sand.u32 $0x7F00, s26;
	s25 =	sshll.u32 s25, $0x6;
	[sflag:s18] =	ssyncset.done $0x0  }
0xac: {  	s26 =	sor.u32 s28, s26;
	s25 =	sadd.s32 $0x3B00, s25;
	[sflag:s18] =	ssyncadd.s32 $0xFFFFED00  }
0xad: {  	s30 =	sor.u32 $0x80, s25;
	v5 =	vld [tilespmem:s26+$0x0]  }
0xae: {  	s29 =	sadd.s32 $0x10, s25;
	v6 =	vld [tilespmem:s30+$0x0]  }
0xaf: {  	s31 =	sor.u32 $0x80, s29;
	v7 =	vld [tilespmem:s26+$0x10]  }
0xb0: {  	v8 =	vld [tilespmem:s31+$0x0]  }
0xb1: {  	s30 =	sadd.s32 $0x20, s25;
	v9 =	vld [tilespmem:s26+$0x20]  }
0xb2: {  	s25 =	sadd.s32 $0x30, s25;
	v3 =	vld [tilespmem:s26+$0x30];
	s31 =	sor.u32 $0x80, s30  }
0xb3: {  	s25 =	sor.u32 $0x80, s25;
	v4 =	vld [tilespmem:s31+$0x0]  }
0xb4: {  	v2 =	vld [tilespmem:s25+$0x0]  }
0xb5: {  	[tilespmem:v5+s15+$0x0] =	vst.idx.add.s32.msk $0xffff, v1  }
0xb6: {  	[tilespmem:v6+s15+$0x0] =	vst.idx.add.s32.msk $0xffff, v1  }
0xb7: {  	[tilespmem:v7+s15+$0x0] =	vst.idx.add.s32.msk $0xffff, v1  }
0xb8: {  	[tilespmem:v8+s15+$0x0] =	vst.idx.add.s32.msk $0xffff, v1  }
0xb9: {  	p1 =	por !p1, !p1;
	s25 =	simm.s32 $0x3B80;
	[tilespmem:v9+s15+$0x0] =	vst.idx.add.s32.msk $0xffff, v1  }
.LBB2_10:
0xba: {  	s26 =	simm.s32 $0x1;
	s24 =	sadd.s32 $0x40, s24  }
0xbb: {  	[tilespmem:v4+s15+$0x0] =	vst.idx.add.s32.msk $0xffff, v1;
	s28 =	smov.u32 s25;
	s29 =	sadd.s32 $0x80, s25;
	s26 =	simm.s32 @!p1 $0x0  }
0xbc: {  	s30 =	sand.u32 $0x40, s24;
	s31 =	sand.u32 $0x7F00, s28;
	s26 =	sshll.u32 s26, $0x6;
	[tilespmem:v3+s15+$0x0] =	vst.idx.add.s32.msk $0xffff, v1  }
0xbd: {  	p2 =	sne.s32 s25, $0x4D80;
	s26 =	sadd.s32 s28, s26;
	s28 =	sor.u32 s30, s31;
	[tilespmem:v2+s15+$0x0] =	vst.idx.add.s32.msk $0xffff, v1  }
0xbe: {  	v5 =	vld [tilespmem:s28+$0x0];
	s25 =	sor.u32 $0x80, s26;
	s30 =	sadd.s32 $0x10, s26;
	s31 =	sadd.s32 $0x20, s26  }
0xbf: {  	s26 =	sadd.s32 $0x30, s26;
	v6 =	vld [tilespmem:s25+$0x0];
	s25 =	sor.u32 $0x80, s30  }
0xc0: {  	v7 =	vld [tilespmem:s28+$0x10]  }
0xc1: {  	v8 =	vld [tilespmem:s25+$0x0]  }
0xc2: {  	s25 =	sor.u32 $0x80, s31;
	v9 =	vld [tilespmem:s28+$0x20]  }
0xc3: {  	v4 =	vld [tilespmem:s25+$0x0]  }
0xc4: {  	s25 =	sor.u32 $0x80, s26;
	v3 =	vld [tilespmem:s28+$0x30]  }
0xc5: {  	v2 =	vld [tilespmem:s25+$0x0]  }
.Ltmp4:
0xc6: {  	[tilespmem:v5+s15+$0x0] =	vst.idx.add.s32.msk $0xffff, v1;
	(pc) =	sbr.rel @p2 .LBB2_10-.Ltmp4, $4  }
0xc7: {  	[tilespmem:v6+s15+$0x0] =	vst.idx.add.s32.msk $0xffff, v1  }
0xc8: {  	[tilespmem:v7+s15+$0x0] =	vst.idx.add.s32.msk $0xffff, v1  }
0xc9: {  	[tilespmem:v8+s15+$0x0] =	vst.idx.add.s32.msk $0xffff, v1  }
0xca: {  	p1 =	por !p1, !p1;
	s25 =	smov.u32 s29;
	[tilespmem:v9+s15+$0x0] =	vst.idx.add.s32.msk $0xffff, v1  }
0xcb: {  	_ =	sdelay $0x3  }
0xcc: {  	[tilespmem:v4+s15+$0x0] =	vst.idx.add.s32.msk $0xffff, v1  }
0xcd: {  	[tilespmem:v3+s15+$0x0] =	vst.idx.add.s32.msk $0xffff, v1  }
0xce: {  	[tilespmem:v2+s15+$0x0] =	vst.idx.add.s32.msk $0xffff, v1  }
0xcf: {  	_ =	swait.ge [sflag:s19], $0x100  }
0xd0: {  	[sflag:s19] =	ssyncset.done $0x0  }
0xd1: {  	[sflag:s19] =	ssyncadd.s32 $0xFFFFFF00  }
0xd2: {  	v2 =	vld @!p0 [tilespmem:$0x4E00]  }
0xd3: {  	v3 =	vld @!p0 [tilespmem:$0x4E10]  }
0xd4: {  	v4 =	vld @!p0 [tilespmem:$0x4E20]  }
0xd5: {  	v5 =	vld @!p0 [tilespmem:$0x4E30]  }
0xd6: {  	v6 =	vld @!p0 [tilespmem:$0x4E40]  }
0xd7: {  	v7 =	vld @!p0 [tilespmem:$0x4E50]  }
0xd8: {  	v8 =	vld @!p0 [tilespmem:$0x4E60]  }
0xd9: {  	v9 =	vld @!p0 [tilespmem:$0x4E70]  }
0xda: {  	v10 =	vld @!p0 [tilespmem:$0x4E80]  }
0xdb: {  	v11 =	vld @!p0 [tilespmem:$0x4E90]  }
0xdc: {  	v12 =	vld @!p0 [tilespmem:$0x4EA0]  }
0xdd: {  	v13 =	vld @!p0 [tilespmem:$0x4EB0]  }
0xde: {  	v14 =	vld @!p0 [tilespmem:$0x4EC0]  }
0xdf: {  	v15 =	vld @!p0 [tilespmem:$0x4ED0]  }
0xe0: {  	v16 =	vld @!p0 [tilespmem:$0x4EE0]  }
0xe1: {  	v18 =	vimm.s32 @!p0 $0x1;
	s24 =	simm.s32 @!p0 $0x4F00;
	v17 =	vld @!p0 [tilespmem:$0x4EF0]  }
0xe2: {  	[tilespmem:v2+s24+$0x0] =	vst.idx.add.s32.msk @!p0 $0xffff, v18  }
0xe3: {  	[tilespmem:v3+s24+$0x0] =	vst.idx.add.s32.msk @!p0 $0xffff, v18  }
0xe4: {  	[tilespmem:v4+s24+$0x0] =	vst.idx.add.s32.msk @!p0 $0xffff, v18  }
0xe5: {  	[tilespmem:v5+s24+$0x0] =	vst.idx.add.s32.msk @!p0 $0xffff, v18  }
0xe6: {  	[tilespmem:v6+s24+$0x0] =	vst.idx.add.s32.msk @!p0 $0xffff, v18  }
0xe7: {  	[tilespmem:v7+s24+$0x0] =	vst.idx.add.s32.msk @!p0 $0xffff, v18  }
0xe8: {  	[tilespmem:v8+s24+$0x0] =	vst.idx.add.s32.msk @!p0 $0xffff, v18  }
0xe9: {  	[tilespmem:v9+s24+$0x0] =	vst.idx.add.s32.msk @!p0 $0xffff, v18  }
0xea: {  	[tilespmem:v10+s24+$0x0] =	vst.idx.add.s32.msk @!p0 $0xffff, v18  }
0xeb: {  	[tilespmem:v11+s24+$0x0] =	vst.idx.add.s32.msk @!p0 $0xffff, v18  }
0xec: {  	[tilespmem:v12+s24+$0x0] =	vst.idx.add.s32.msk @!p0 $0xffff, v18  }
0xed: {  	[tilespmem:v13+s24+$0x0] =	vst.idx.add.s32.msk @!p0 $0xffff, v18  }
0xee: {  	[tilespmem:v14+s24+$0x0] =	vst.idx.add.s32.msk @!p0 $0xffff, v18  }
0xef: {  	s23 =	sadd.s32 $0x1, s23;
	[tilespmem:v15+s24+$0x0] =	vst.idx.add.s32.msk @!p0 $0xffff, v18  }
0xf0: {  	p1 =	sne.s32 s23, s9;
	[tilespmem:v16+s24+$0x0] =	vst.idx.add.s32.msk @!p0 $0xffff, v18  }
.Ltmp5:
0xf1: {  	[tilespmem:v17+s24+$0x0] =	vst.idx.add.s32.msk @!p0 $0xffff, v18;
	(pc) =	sbr.rel @p1 .LBB2_1-.Ltmp5, $4  }
0xf2: {  	[hbm4b:s8+s20] =	stream.strided.scatter [tilespmem:s15], [sflag:$0x6], $0x2800, s21, s20, $0x38;
	[tilespmem:$0x7700] =	vst v63  }
0xf3: {  	_ =	swait.ge [sflag:s22], $0x2800  }
0xf4: {  	[sflag:s22] =	ssyncset.done $0x0  }
0xf5: {  	[sflag:s22] =	ssyncadd.s32 $0xFFFFD800  }
0xf6: {  	_ =	sfence.sel $0x180000  }
0xf7: {  	[bflag:$0x0] =	sbarrier.arrive $0xFFFF  }
0xf8: {  	p0 =	sne.s32 s0, $0x0;
	_ =	strace $0x90000047  }
0xf9: {  	s0 =	sadd.s32 @!p0 $0x100000, s1;
	[bflag:$0x2] =	sbarrier.arrive $0xFFFF  }
0xfa: {  	[sflag:s0] =	ssyncadd.tile.s32 @!p0 $0x1;
	_ =	shalt  }
.Lfunc_end2:
_tile_overlayer_lowered:
.L_overlay_start_2:
0xfb: {  	(tag) =	ssettag $0x2  }
0xfc: {  	s0 =	rddreg [dreg:$0x0];
	s2 =	stileid.u32  }
0xfd: {  	s1 =	rddreg [dreg:$0x1];
	p0 =	sne.s32 s2, $0x0  }
0xfe: {  	s3 =	rddreg [dreg:$0x2];
	[bflag:$0x3] =	sbarrier.arrive $0xFFFF;
	s2 =	simm.s32 @!p0 $0x1C06  }
0xff: {  	[timem:s3], [sflag:s2] =	dma.local @!p0 [hbm:s0], s1  }
0x100: {  	s0 =	simm.s32 @!p0 $0x6  }
0x101: {  	_ =	swait.ge @!p0 [sflag:s0], s1  }
0x102: {  	s1 =	ssub.s32 @!p0 $0x0, s1;
	[sflag:s0] =	ssyncset.done @!p0 $0x0  }
0x103: {  	[sflag:s0] =	ssyncadd.s32 @!p0 s1  }
0x104: {  	[bflag:$0x3] =	sbarrier.arrive $0xFFFF  }
0x105: {  	_ =	shalt  }

</sc_bundles>
